<compile_context>
chip_gen: v7x
topology: tpu7x:2x2x1
jax: 0.10.2.dev20260603
libtpu: 0.0.44.dev20260713+nightly
codegen_flags: <defaults>
</compile_context>

<pallas_src>
import dataclasses

import jax
import jax.numpy as jnp
from jax import lax
from jax.experimental import pallas as pl
from jax.experimental.pallas import tpu as pltpu
from jax.experimental.pallas import tpu_sc as plsc

BATCH = 4096
SEQ = 200
VOCAB_ROWS = 1000000
EMBED = 32
NUM_IDS = BATCH * SEQ
ROW_BYTES = EMBED * 4

NUM_CORES = 2
NUM_SUBCORES = 16
NUM_WORKERS = NUM_CORES * NUM_SUBCORES
IDS_PER_WORKER = NUM_IDS // NUM_WORKERS

CHUNK = 1280
GATHER = 128
STEPS = IDS_PER_WORKER // CHUNK


def kernel(input_ids, table):
    idx = input_ids.reshape(NUM_IDS)
    mesh = plsc.VectorSubcoreMesh(core_axis_name="c", subcore_axis_name="s")

    cp = pltpu.CompilerParams(use_tc_tiling_on_sc=False)

    @pl.kernel(
        out_type=jax.ShapeDtypeStruct((NUM_IDS, EMBED), table.dtype),
        mesh=mesh,
        compiler_params=cp,
        scratch_types=[
            pltpu.VMEM((CHUNK,), jnp.int32),
            pltpu.VMEM((CHUNK,), jnp.int32),
            pltpu.VMEM((CHUNK, EMBED), jnp.float32),
            pltpu.VMEM((CHUNK, EMBED), jnp.float32),
            pltpu.SemaphoreType.DMA,
            pltpu.SemaphoreType.DMA,
            pltpu.SemaphoreType.DMA,
            pltpu.SemaphoreType.DMA,
            pltpu.SemaphoreType.DMA,
            pltpu.SemaphoreType.DMA,
        ],
    )
    def sc_gather(
        table_hbm,
        idx_hbm,
        out_hbm,
        ibuf_a,
        ibuf_b,
        rows_a,
        rows_b,
        semi_a,
        semi_b,
        semg_a,
        semg_b,
        semw_a,
        semw_b,
    ):
        ibuf = (ibuf_a, ibuf_b)
        rows = (rows_a, rows_b)
        semi = (semi_a, semi_b)
        semg = (semg_a, semg_b)
        semw = (semw_a, semw_b)
        wid = lax.axis_index("s") * NUM_CORES + lax.axis_index("c")
        base = wid * IDS_PER_WORKER

        def start_idx(c, u):
            off = base + jnp.minimum(c, STEPS - 1) * CHUNK
            pltpu.async_copy(idx_hbm.at[pl.ds(off, CHUNK)], ibuf[u], semi[u])

        def wait_idx(u):
            pltpu.make_async_copy(
                idx_hbm.at[pl.ds(0, CHUNK)], ibuf[u], semi[u]
            ).wait()

        def start_gather(u):
            for h in range(CHUNK // GATHER):
                pltpu.async_copy(
                    table_hbm.at[ibuf[u].at[pl.ds(h * GATHER, GATHER)]],
                    rows[u].at[pl.ds(h * GATHER, GATHER)],
                    semg[u],
                )

        def wait_gather(u):
            for h in range(CHUNK // GATHER):
                pltpu.make_async_copy(
                    table_hbm.at[pl.ds(0, GATHER)],
                    rows[u].at[pl.ds(h * GATHER, GATHER)],
                    semg[u],
                ).wait()

        def start_write(c, u):
            off = base + c * CHUNK
            pltpu.async_copy(rows[u], out_hbm.at[pl.ds(off, CHUNK)], semw[u])

        def wait_write(u):
            pltpu.make_async_copy(
                rows[u], out_hbm.at[pl.ds(0, CHUNK)], semw[u]
            ).wait()

        start_idx(0, 0)
        wait_idx(0)
        start_gather(0)
        start_idx(1, 1)

        @pl.loop(0, STEPS // 2)
        def _(j):
            c0 = j * 2
            wait_gather(0)
            wait_idx(1)

            @pl.when(j > 0)
            def _():
                wait_write(1)

            start_gather(1)
            start_write(c0, 0)
            start_idx(c0 + 2, 0)

            wait_gather(1)
            wait_idx(0)
            wait_write(0)
            start_gather(0)
            start_write(c0 + 1, 1)
            start_idx(c0 + 3, 1)

        wait_gather(0)
        wait_idx(1)
        wait_write(1)

    out = sc_gather(table, idx)
    return out.reshape(BATCH, SEQ, EMBED)

# --- scband reference (transcript-rebuilt; emitter-appended) ---
"""Pipeline reference for scband-fin-gptr1-tokenizer-84542136254515 (READ-ONLY COPY).

The authoritative reference and input builder live on the scoring server;
editing this copy changes nothing except your own understanding.
"""

import jax, jax.numpy as jnp
import numpy as np

BATCH = 4096
SEQ = 200
VOCAB = 1000000
EMBED = 32

def setup_inputs(seed: int = 0) -> dict:
    key = jax.random.key(seed)
    k1, k2 = jax.random.split(key)
    input_ids = jax.random.randint(k1, (BATCH, SEQ), 0, VOCAB, dtype=jnp.int32)
    table = jax.random.normal(k2, (VOCAB, EMBED), dtype=jnp.float32) * 0.02
    return {"input_ids": input_ids, "table": table}

def reference(input_ids, table):
    # Core computation of FinGPTR1_Tokenizer.forward: tokenized ids -> custom
    # embedding lookup, concatenated over the batch. The tokenizer string
    # preprocessing is host-side; the device work is the embedding gather.
    embeddings = jnp.take(table, input_ids, axis=0)  # [B, S, E]
    return embeddings

if __name__ == "__main__":
    import jax
    _d = setup_inputs()
    print(jax.jit(kernel)(*tuple(_d.values())))

</pallas_src>

<mosaic_0001>
#map = affine_map<(d0, d1) -> (0, 0)>
#map1 = affine_map<(d0, d1) -> (0)>
module attributes {stable_mosaic.version = 14 : i64} {
  func.func @sc_gather(%arg0: i32, %arg1: i32, %arg2: memref<1000000x32xf32, #tpu.memory_space<hbm>>, %arg3: memref<819200xi32, #tpu.memory_space<hbm>>, %arg4: memref<819200x32xf32, #tpu.memory_space<hbm>>, %arg5: memref<1280xi32, #tpu.memory_space<vmem>>, %arg6: memref<1280xi32, #tpu.memory_space<vmem>>, %arg7: memref<1280x32xf32, #tpu.memory_space<vmem>>, %arg8: memref<1280x32xf32, #tpu.memory_space<vmem>>, %arg9: memref<!tpu.dma_semaphore, #tpu.memory_space<semaphore_mem>>, %arg10: memref<!tpu.dma_semaphore, #tpu.memory_space<semaphore_mem>>, %arg11: memref<!tpu.dma_semaphore, #tpu.memory_space<semaphore_mem>>, %arg12: memref<!tpu.dma_semaphore, #tpu.memory_space<semaphore_mem>>, %arg13: memref<!tpu.dma_semaphore, #tpu.memory_space<semaphore_mem>>, %arg14: memref<!tpu.dma_semaphore, #tpu.memory_space<semaphore_mem>>) attributes {dimension_semantics = [#tpu.dimension_semantics<core_parallel>, #tpu.dimension_semantics<subcore_parallel>], iteration_bounds = array<i64: 2, 16>, scalar_prefetch = 0 : i64, scratch_operands = 10 : i64, tpu.core_type = #tpu.core_type<sc_vector_subcore>, window_params = [{transform_indices = #map}, {transform_indices = #map1}, {transform_indices = #map}]} {
    %mul3A = arith.constant 2 : i32
    %mul3A_0 = arith.muli %arg1, %mul3A : i32
    %add3A = arith.addi %mul3A_0, %arg0 : i32
    %mul3A_1 = arith.constant 25600 : i32
    %mul3A_2 = arith.muli %add3A, %mul3A_1 : i32
    %min3A = arith.constant 0 : i32
    %min3A_3 = arith.constant 19 : i32
    %min3A_4 = arith.minsi %min3A, %min3A_3 : i32
    %mul3A_5 = arith.constant 1280 : i32
    %mul3A_6 = arith.muli %min3A_4, %mul3A_5 : i32
    %add3A_7 = arith.addi %mul3A_2, %mul3A_6 : i32
    %dma_start3A = tpu.memref_slice %arg3[%add3A_7] : memref<819200xi32, #tpu.memory_space<hbm>> -> memref<1280xi32, #tpu.memory_space<hbm>>
    %dma_start3A_8 = tpu.memref_slice %arg3[%add3A_7] : memref<819200xi32, #tpu.memory_space<hbm>> -> memref<1280xi32, #tpu.memory_space<hbm>>
    tpu.enqueue_dma source(%dma_start3A_8 : memref<1280xi32, #tpu.memory_space<hbm>>) target(%arg5 : memref<1280xi32, #tpu.memory_space<vmem>>) target_semaphore(%arg9 : memref<!tpu.dma_semaphore, #tpu.memory_space<semaphore_mem>>)
    %dma_wait3A = arith.constant 0 : i32
    %dma_wait3A_9 = tpu.memref_slice %arg3[%dma_wait3A] : memref<819200xi32, #tpu.memory_space<hbm>> -> memref<1280xi32, #tpu.memory_space<hbm>>
    %dma_wait3A_10 = arith.constant 0 : i32
    %dma_wait3A_11 = tpu.memref_slice %arg3[%dma_wait3A_10] : memref<819200xi32, #tpu.memory_space<hbm>> -> memref<1280xi32, #tpu.memory_space<hbm>>
    tpu.wait_dma2 semaphore(%arg9 : memref<!tpu.dma_semaphore, #tpu.memory_space<semaphore_mem>>) src(%dma_wait3A_11 : memref<1280xi32, #tpu.memory_space<hbm>>) dst(%arg5 : memref<1280xi32, #tpu.memory_space<vmem>>)
    %dma_start3A_12 = arith.constant 0 : i32
    %dma_start3A_13 = arith.constant 0 : i32
    %dma_start3A_14 = tpu.memref_slice %arg7[%dma_start3A_12, %dma_start3A_13] : memref<1280x32xf32, #tpu.memory_space<vmem>> -> memref<128x32xf32, #tpu.memory_space<vmem>>
    %dma_start3A_15 = arith.constant 0 : i32
    %dma_start3A_16 = tpu.memref_slice %arg5[%dma_start3A_15] : memref<1280xi32, #tpu.memory_space<vmem>> -> memref<128xi32, #tpu.memory_space<vmem>>
    %dma_start3A_17 = arith.constant 0 : i32
    %dma_start3A_18 = arith.constant 0 : i32
    %dma_start3A_19 = tpu.memref_slice %arg2[%dma_start3A_17, %dma_start3A_18] : memref<1000000x32xf32, #tpu.memory_space<hbm>> -> memref<1000000x32xf32, #tpu.memory_space<hbm>>
    tpu.enqueue_indirect_dma source(%dma_start3A_19 : memref<1000000x32xf32, #tpu.memory_space<hbm>>) target(%dma_start3A_14 : memref<128x32xf32, #tpu.memory_space<vmem>>) offsets(%dma_start3A_16 : memref<128xi32, #tpu.memory_space<vmem>>) semaphore(%arg11 : memref<!tpu.dma_semaphore, #tpu.memory_space<semaphore_mem>>)
    %dma_start3A_20 = arith.constant 128 : i32
    %dma_start3A_21 = arith.constant 0 : i32
    %dma_start3A_22 = tpu.memref_slice %arg7[%dma_start3A_20, %dma_start3A_21] : memref<1280x32xf32, #tpu.memory_space<vmem>> -> memref<128x32xf32, #tpu.memory_space<vmem>>
    %dma_start3A_23 = arith.constant 128 : i32
    %dma_start3A_24 = tpu.memref_slice %arg5[%dma_start3A_23] : memref<1280xi32, #tpu.memory_space<vmem>> -> memref<128xi32, #tpu.memory_space<vmem>>
    %dma_start3A_25 = arith.constant 0 : i32
    %dma_start3A_26 = arith.constant 0 : i32
    %dma_start3A_27 = tpu.memref_slice %arg2[%dma_start3A_25, %dma_start3A_26] : memref<1000000x32xf32, #tpu.memory_space<hbm>> -> memref<1000000x32xf32, #tpu.memory_space<hbm>>
    tpu.enqueue_indirect_dma source(%dma_start3A_27 : memref<1000000x32xf32, #tpu.memory_space<hbm>>) target(%dma_start3A_22 : memref<128x32xf32, #tpu.memory_space<vmem>>) offsets(%dma_start3A_24 : memref<128xi32, #tpu.memory_space<vmem>>) semaphore(%arg11 : memref<!tpu.dma_semaphore, #tpu.memory_space<semaphore_mem>>)
    %dma_start3A_28 = arith.constant 256 : i32
    %dma_start3A_29 = arith.constant 0 : i32
    %dma_start3A_30 = tpu.memref_slice %arg7[%dma_start3A_28, %dma_start3A_29] : memref<1280x32xf32, #tpu.memory_space<vmem>> -> memref<128x32xf32, #tpu.memory_space<vmem>>
    %dma_start3A_31 = arith.constant 256 : i32
    %dma_start3A_32 = tpu.memref_slice %arg5[%dma_start3A_31] : memref<1280xi32, #tpu.memory_space<vmem>> -> memref<128xi32, #tpu.memory_space<vmem>>
    %dma_start3A_33 = arith.constant 0 : i32
    %dma_start3A_34 = arith.constant 0 : i32
    %dma_start3A_35 = tpu.memref_slice %arg2[%dma_start3A_33, %dma_start3A_34] : memref<1000000x32xf32, #tpu.memory_space<hbm>> -> memref<1000000x32xf32, #tpu.memory_space<hbm>>
    tpu.enqueue_indirect_dma source(%dma_start3A_35 : memref<1000000x32xf32, #tpu.memory_space<hbm>>) target(%dma_start3A_30 : memref<128x32xf32, #tpu.memory_space<vmem>>) offsets(%dma_start3A_32 : memref<128xi32, #tpu.memory_space<vmem>>) semaphore(%arg11 : memref<!tpu.dma_semaphore, #tpu.memory_space<semaphore_mem>>)
    %dma_start3A_36 = arith.constant 384 : i32
    %dma_start3A_37 = arith.constant 0 : i32
    %dma_start3A_38 = tpu.memref_slice %arg7[%dma_start3A_36, %dma_start3A_37] : memref<1280x32xf32, #tpu.memory_space<vmem>> -> memref<128x32xf32, #tpu.memory_space<vmem>>
    %dma_start3A_39 = arith.constant 384 : i32
    %dma_start3A_40 = tpu.memref_slice %arg5[%dma_start3A_39] : memref<1280xi32, #tpu.memory_space<vmem>> -> memref<128xi32, #tpu.memory_space<vmem>>
    %dma_start3A_41 = arith.constant 0 : i32
    %dma_start3A_42 = arith.constant 0 : i32
    %dma_start3A_43 = tpu.memref_slice %arg2[%dma_start3A_41, %dma_start3A_42] : memref<1000000x32xf32, #tpu.memory_space<hbm>> -> memref<1000000x32xf32, #tpu.memory_space<hbm>>
    tpu.enqueue_indirect_dma source(%dma_start3A_43 : memref<1000000x32xf32, #tpu.memory_space<hbm>>) target(%dma_start3A_38 : memref<128x32xf32, #tpu.memory_space<vmem>>) offsets(%dma_start3A_40 : memref<128xi32, #tpu.memory_space<vmem>>) semaphore(%arg11 : memref<!tpu.dma_semaphore, #tpu.memory_space<semaphore_mem>>)
    %dma_start3A_44 = arith.constant 512 : i32
    %dma_start3A_45 = arith.constant 0 : i32
    %dma_start3A_46 = tpu.memref_slice %arg7[%dma_start3A_44, %dma_start3A_45] : memref<1280x32xf32, #tpu.memory_space<vmem>> -> memref<128x32xf32, #tpu.memory_space<vmem>>
    %dma_start3A_47 = arith.constant 512 : i32
    %dma_start3A_48 = tpu.memref_slice %arg5[%dma_start3A_47] : memref<1280xi32, #tpu.memory_space<vmem>> -> memref<128xi32, #tpu.memory_space<vmem>>
    %dma_start3A_49 = arith.constant 0 : i32
    %dma_start3A_50 = arith.constant 0 : i32
    %dma_start3A_51 = tpu.memref_slice %arg2[%dma_start3A_49, %dma_start3A_50] : memref<1000000x32xf32, #tpu.memory_space<hbm>> -> memref<1000000x32xf32, #tpu.memory_space<hbm>>
    tpu.enqueue_indirect_dma source(%dma_start3A_51 : memref<1000000x32xf32, #tpu.memory_space<hbm>>) target(%dma_start3A_46 : memref<128x32xf32, #tpu.memory_space<vmem>>) offsets(%dma_start3A_48 : memref<128xi32, #tpu.memory_space<vmem>>) semaphore(%arg11 : memref<!tpu.dma_semaphore, #tpu.memory_space<semaphore_mem>>)
    %dma_start3A_52 = arith.constant 640 : i32
    %dma_start3A_53 = arith.constant 0 : i32
    %dma_start3A_54 = tpu.memref_slice %arg7[%dma_start3A_52, %dma_start3A_53] : memref<1280x32xf32, #tpu.memory_space<vmem>> -> memref<128x32xf32, #tpu.memory_space<vmem>>
    %dma_start3A_55 = arith.constant 640 : i32
    %dma_start3A_56 = tpu.memref_slice %arg5[%dma_start3A_55] : memref<1280xi32, #tpu.memory_space<vmem>> -> memref<128xi32, #tpu.memory_space<vmem>>
    %dma_start3A_57 = arith.constant 0 : i32
    %dma_start3A_58 = arith.constant 0 : i32
    %dma_start3A_59 = tpu.memref_slice %arg2[%dma_start3A_57, %dma_start3A_58] : memref<1000000x32xf32, #tpu.memory_space<hbm>> -> memref<1000000x32xf32, #tpu.memory_space<hbm>>
    tpu.enqueue_indirect_dma source(%dma_start3A_59 : memref<1000000x32xf32, #tpu.memory_space<hbm>>) target(%dma_start3A_54 : memref<128x32xf32, #tpu.memory_space<vmem>>) offsets(%dma_start3A_56 : memref<128xi32, #tpu.memory_space<vmem>>) semaphore(%arg11 : memref<!tpu.dma_semaphore, #tpu.memory_space<semaphore_mem>>)
    %dma_start3A_60 = arith.constant 768 : i32
    %dma_start3A_61 = arith.constant 0 : i32
    %dma_start3A_62 = tpu.memref_slice %arg7[%dma_start3A_60, %dma_start3A_61] : memref<1280x32xf32, #tpu.memory_space<vmem>> -> memref<128x32xf32, #tpu.memory_space<vmem>>
    %dma_start3A_63 = arith.constant 768 : i32
    %dma_start3A_64 = tpu.memref_slice %arg5[%dma_start3A_63] : memref<1280xi32, #tpu.memory_space<vmem>> -> memref<128xi32, #tpu.memory_space<vmem>>
    %dma_start3A_65 = arith.constant 0 : i32
    %dma_start3A_66 = arith.constant 0 : i32
    %dma_start3A_67 = tpu.memref_slice %arg2[%dma_start3A_65, %dma_start3A_66] : memref<1000000x32xf32, #tpu.memory_space<hbm>> -> memref<1000000x32xf32, #tpu.memory_space<hbm>>
    tpu.enqueue_indirect_dma source(%dma_start3A_67 : memref<1000000x32xf32, #tpu.memory_space<hbm>>) target(%dma_start3A_62 : memref<128x32xf32, #tpu.memory_space<vmem>>) offsets(%dma_start3A_64 : memref<128xi32, #tpu.memory_space<vmem>>) semaphore(%arg11 : memref<!tpu.dma_semaphore, #tpu.memory_space<semaphore_mem>>)
    %dma_start3A_68 = arith.constant 896 : i32
    %dma_start3A_69 = arith.constant 0 : i32
    %dma_start3A_70 = tpu.memref_slice %arg7[%dma_start3A_68, %dma_start3A_69] : memref<1280x32xf32, #tpu.memory_space<vmem>> -> memref<128x32xf32, #tpu.memory_space<vmem>>
    %dma_start3A_71 = arith.constant 896 : i32
    %dma_start3A_72 = tpu.memref_slice %arg5[%dma_start3A_71] : memref<1280xi32, #tpu.memory_space<vmem>> -> memref<128xi32, #tpu.memory_space<vmem>>
    %dma_start3A_73 = arith.constant 0 : i32
    %dma_start3A_74 = arith.constant 0 : i32
    %dma_start3A_75 = tpu.memref_slice %arg2[%dma_start3A_73, %dma_start3A_74] : memref<1000000x32xf32, #tpu.memory_space<hbm>> -> memref<1000000x32xf32, #tpu.memory_space<hbm>>
    tpu.enqueue_indirect_dma source(%dma_start3A_75 : memref<1000000x32xf32, #tpu.memory_space<hbm>>) target(%dma_start3A_70 : memref<128x32xf32, #tpu.memory_space<vmem>>) offsets(%dma_start3A_72 : memref<128xi32, #tpu.memory_space<vmem>>) semaphore(%arg11 : memref<!tpu.dma_semaphore, #tpu.memory_space<semaphore_mem>>)
    %dma_start3A_76 = arith.constant 1024 : i32
    %dma_start3A_77 = arith.constant 0 : i32
    %dma_start3A_78 = tpu.memref_slice %arg7[%dma_start3A_76, %dma_start3A_77] : memref<1280x32xf32, #tpu.memory_space<vmem>> -> memref<128x32xf32, #tpu.memory_space<vmem>>
    %dma_start3A_79 = arith.constant 1024 : i32
    %dma_start3A_80 = tpu.memref_slice %arg5[%dma_start3A_79] : memref<1280xi32, #tpu.memory_space<vmem>> -> memref<128xi32, #tpu.memory_space<vmem>>
    %dma_start3A_81 = arith.constant 0 : i32
    %dma_start3A_82 = arith.constant 0 : i32
    %dma_start3A_83 = tpu.memref_slice %arg2[%dma_start3A_81, %dma_start3A_82] : memref<1000000x32xf32, #tpu.memory_space<hbm>> -> memref<1000000x32xf32, #tpu.memory_space<hbm>>
    tpu.enqueue_indirect_dma source(%dma_start3A_83 : memref<1000000x32xf32, #tpu.memory_space<hbm>>) target(%dma_start3A_78 : memref<128x32xf32, #tpu.memory_space<vmem>>) offsets(%dma_start3A_80 : memref<128xi32, #tpu.memory_space<vmem>>) semaphore(%arg11 : memref<!tpu.dma_semaphore, #tpu.memory_space<semaphore_mem>>)
    %dma_start3A_84 = arith.constant 1152 : i32
    %dma_start3A_85 = arith.constant 0 : i32
    %dma_start3A_86 = tpu.memref_slice %arg7[%dma_start3A_84, %dma_start3A_85] : memref<1280x32xf32, #tpu.memory_space<vmem>> -> memref<128x32xf32, #tpu.memory_space<vmem>>
    %dma_start3A_87 = arith.constant 1152 : i32
    %dma_start3A_88 = tpu.memref_slice %arg5[%dma_start3A_87] : memref<1280xi32, #tpu.memory_space<vmem>> -> memref<128xi32, #tpu.memory_space<vmem>>
    %dma_start3A_89 = arith.constant 0 : i32
    %dma_start3A_90 = arith.constant 0 : i32
    %dma_start3A_91 = tpu.memref_slice %arg2[%dma_start3A_89, %dma_start3A_90] : memref<1000000x32xf32, #tpu.memory_space<hbm>> -> memref<1000000x32xf32, #tpu.memory_space<hbm>>
    tpu.enqueue_indirect_dma source(%dma_start3A_91 : memref<1000000x32xf32, #tpu.memory_space<hbm>>) target(%dma_start3A_86 : memref<128x32xf32, #tpu.memory_space<vmem>>) offsets(%dma_start3A_88 : memref<128xi32, #tpu.memory_space<vmem>>) semaphore(%arg11 : memref<!tpu.dma_semaphore, #tpu.memory_space<semaphore_mem>>)
    %min3A_92 = arith.constant 1 : i32
    %min3A_93 = arith.constant 19 : i32
    %min3A_94 = arith.minsi %min3A_92, %min3A_93 : i32
    %mul3A_95 = arith.constant 1280 : i32
    %mul3A_96 = arith.muli %min3A_94, %mul3A_95 : i32
    %add3A_97 = arith.addi %mul3A_2, %mul3A_96 : i32
    %dma_start3A_98 = tpu.memref_slice %arg3[%add3A_97] : memref<819200xi32, #tpu.memory_space<hbm>> -> memref<1280xi32, #tpu.memory_space<hbm>>
    %dma_start3A_99 = tpu.memref_slice %arg3[%add3A_97] : memref<819200xi32, #tpu.memory_space<hbm>> -> memref<1280xi32, #tpu.memory_space<hbm>>
    tpu.enqueue_dma source(%dma_start3A_99 : memref<1280xi32, #tpu.memory_space<hbm>>) target(%arg6 : memref<1280xi32, #tpu.memory_space<vmem>>) target_semaphore(%arg10 : memref<!tpu.dma_semaphore, #tpu.memory_space<semaphore_mem>>)
    %scan3A = arith.constant 0 : i32
    %scan3A_100 = arith.constant 10 : i32
    %scan3A_101 = arith.addi %scan3A, %scan3A_100 : i32
    %scan3A_102 = arith.constant 1 : i32
    scf.for %scan3A_234 = %scan3A to %scan3A_101 step %scan3A_102  : i32 {
      %mul3A_235 = arith.constant 1 : i32
      %mul3A_236 = arith.muli %scan3A_234, %mul3A_235 : i32
      %add3A_237 = arith.constant 0 : i32
      %add3A_238 = arith.addi %add3A_237, %mul3A_236 : i32
      %mul3A_239 = arith.constant 2 : i32
      %mul3A_240 = arith.muli %add3A_238, %mul3A_239 : i32
      %dma_wait3A_241 = arith.constant 0 : i32
      %dma_wait3A_242 = arith.constant 0 : i32
      %dma_wait3A_243 = tpu.memref_slice %arg7[%dma_wait3A_241, %dma_wait3A_242] : memref<1280x32xf32, #tpu.memory_space<vmem>> -> memref<128x32xf32, #tpu.memory_space<vmem>>
      %dma_wait3A_244 = arith.constant 0 : i32
      %dma_wait3A_245 = arith.constant 0 : i32
      %dma_wait3A_246 = tpu.memref_slice %arg2[%dma_wait3A_244, %dma_wait3A_245] : memref<1000000x32xf32, #tpu.memory_space<hbm>> -> memref<128x32xf32, #tpu.memory_space<hbm>>
      %dma_wait3A_247 = arith.constant 0 : i32
      %dma_wait3A_248 = arith.constant 0 : i32
      %dma_wait3A_249 = tpu.memref_slice %arg7[%dma_wait3A_247, %dma_wait3A_248] : memref<1280x32xf32, #tpu.memory_space<vmem>> -> memref<128x32xf32, #tpu.memory_space<vmem>>
      %dma_wait3A_250 = arith.constant 0 : i32
      %dma_wait3A_251 = arith.constant 0 : i32
      %dma_wait3A_252 = tpu.memref_slice %arg2[%dma_wait3A_250, %dma_wait3A_251] : memref<1000000x32xf32, #tpu.memory_space<hbm>> -> memref<128x32xf32, #tpu.memory_space<hbm>>
      tpu.wait_dma2 semaphore(%arg11 : memref<!tpu.dma_semaphore, #tpu.memory_space<semaphore_mem>>) src(%dma_wait3A_252 : memref<128x32xf32, #tpu.memory_space<hbm>>) dst(%dma_wait3A_249 : memref<128x32xf32, #tpu.memory_space<vmem>>)
      %dma_wait3A_253 = arith.constant 128 : i32
      %dma_wait3A_254 = arith.constant 0 : i32
      %dma_wait3A_255 = tpu.memref_slice %arg7[%dma_wait3A_253, %dma_wait3A_254] : memref<1280x32xf32, #tpu.memory_space<vmem>> -> memref<128x32xf32, #tpu.memory_space<vmem>>
      %dma_wait3A_256 = arith.constant 0 : i32
      %dma_wait3A_257 = arith.constant 0 : i32
      %dma_wait3A_258 = tpu.memref_slice %arg2[%dma_wait3A_256, %dma_wait3A_257] : memref<1000000x32xf32, #tpu.memory_space<hbm>> -> memref<128x32xf32, #tpu.memory_space<hbm>>
      %dma_wait3A_259 = arith.constant 128 : i32
      %dma_wait3A_260 = arith.constant 0 : i32
      %dma_wait3A_261 = tpu.memref_slice %arg7[%dma_wait3A_259, %dma_wait3A_260] : memref<1280x32xf32, #tpu.memory_space<vmem>> -> memref<128x32xf32, #tpu.memory_space<vmem>>
      %dma_wait3A_262 = arith.constant 0 : i32
      %dma_wait3A_263 = arith.constant 0 : i32
      %dma_wait3A_264 = tpu.memref_slice %arg2[%dma_wait3A_262, %dma_wait3A_263] : memref<1000000x32xf32, #tpu.memory_space<hbm>> -> memref<128x32xf32, #tpu.memory_space<hbm>>
      tpu.wait_dma2 semaphore(%arg11 : memref<!tpu.dma_semaphore, #tpu.memory_space<semaphore_mem>>) src(%dma_wait3A_264 : memref<128x32xf32, #tpu.memory_space<hbm>>) dst(%dma_wait3A_261 : memref<128x32xf32, #tpu.memory_space<vmem>>)
      %dma_wait3A_265 = arith.constant 256 : i32
      %dma_wait3A_266 = arith.constant 0 : i32
      %dma_wait3A_267 = tpu.memref_slice %arg7[%dma_wait3A_265, %dma_wait3A_266] : memref<1280x32xf32, #tpu.memory_space<vmem>> -> memref<128x32xf32, #tpu.memory_space<vmem>>
      %dma_wait3A_268 = arith.constant 0 : i32
      %dma_wait3A_269 = arith.constant 0 : i32
      %dma_wait3A_270 = tpu.memref_slice %arg2[%dma_wait3A_268, %dma_wait3A_269] : memref<1000000x32xf32, #tpu.memory_space<hbm>> -> memref<128x32xf32, #tpu.memory_space<hbm>>
      %dma_wait3A_271 = arith.constant 256 : i32
      %dma_wait3A_272 = arith.constant 0 : i32
      %dma_wait3A_273 = tpu.memref_slice %arg7[%dma_wait3A_271, %dma_wait3A_272] : memref<1280x32xf32, #tpu.memory_space<vmem>> -> memref<128x32xf32, #tpu.memory_space<vmem>>
      %dma_wait3A_274 = arith.constant 0 : i32
      %dma_wait3A_275 = arith.constant 0 : i32
      %dma_wait3A_276 = tpu.memref_slice %arg2[%dma_wait3A_274, %dma_wait3A_275] : memref<1000000x32xf32, #tpu.memory_space<hbm>> -> memref<128x32xf32, #tpu.memory_space<hbm>>
      tpu.wait_dma2 semaphore(%arg11 : memref<!tpu.dma_semaphore, #tpu.memory_space<semaphore_mem>>) src(%dma_wait3A_276 : memref<128x32xf32, #tpu.memory_space<hbm>>) dst(%dma_wait3A_273 : memref<128x32xf32, #tpu.memory_space<vmem>>)
      %dma_wait3A_277 = arith.constant 384 : i32
      %dma_wait3A_278 = arith.constant 0 : i32
      %dma_wait3A_279 = tpu.memref_slice %arg7[%dma_wait3A_277, %dma_wait3A_278] : memref<1280x32xf32, #tpu.memory_space<vmem>> -> memref<128x32xf32, #tpu.memory_space<vmem>>
      %dma_wait3A_280 = arith.constant 0 : i32
      %dma_wait3A_281 = arith.constant 0 : i32
      %dma_wait3A_282 = tpu.memref_slice %arg2[%dma_wait3A_280, %dma_wait3A_281] : memref<1000000x32xf32, #tpu.memory_space<hbm>> -> memref<128x32xf32, #tpu.memory_space<hbm>>
      %dma_wait3A_283 = arith.constant 384 : i32
      %dma_wait3A_284 = arith.constant 0 : i32
      %dma_wait3A_285 = tpu.memref_slice %arg7[%dma_wait3A_283, %dma_wait3A_284] : memref<1280x32xf32, #tpu.memory_space<vmem>> -> memref<128x32xf32, #tpu.memory_space<vmem>>
      %dma_wait3A_286 = arith.constant 0 : i32
      %dma_wait3A_287 = arith.constant 0 : i32
      %dma_wait3A_288 = tpu.memref_slice %arg2[%dma_wait3A_286, %dma_wait3A_287] : memref<1000000x32xf32, #tpu.memory_space<hbm>> -> memref<128x32xf32, #tpu.memory_space<hbm>>
      tpu.wait_dma2 semaphore(%arg11 : memref<!tpu.dma_semaphore, #tpu.memory_space<semaphore_mem>>) src(%dma_wait3A_288 : memref<128x32xf32, #tpu.memory_space<hbm>>) dst(%dma_wait3A_285 : memref<128x32xf32, #tpu.memory_space<vmem>>)
      %dma_wait3A_289 = arith.constant 512 : i32
      %dma_wait3A_290 = arith.constant 0 : i32
      %dma_wait3A_291 = tpu.memref_slice %arg7[%dma_wait3A_289, %dma_wait3A_290] : memref<1280x32xf32, #tpu.memory_space<vmem>> -> memref<128x32xf32, #tpu.memory_space<vmem>>
      %dma_wait3A_292 = arith.constant 0 : i32
      %dma_wait3A_293 = arith.constant 0 : i32
      %dma_wait3A_294 = tpu.memref_slice %arg2[%dma_wait3A_292, %dma_wait3A_293] : memref<1000000x32xf32, #tpu.memory_space<hbm>> -> memref<128x32xf32, #tpu.memory_space<hbm>>
      %dma_wait3A_295 = arith.constant 512 : i32
      %dma_wait3A_296 = arith.constant 0 : i32
      %dma_wait3A_297 = tpu.memref_slice %arg7[%dma_wait3A_295, %dma_wait3A_296] : memref<1280x32xf32, #tpu.memory_space<vmem>> -> memref<128x32xf32, #tpu.memory_space<vmem>>
      %dma_wait3A_298 = arith.constant 0 : i32
      %dma_wait3A_299 = arith.constant 0 : i32
      %dma_wait3A_300 = tpu.memref_slice %arg2[%dma_wait3A_298, %dma_wait3A_299] : memref<1000000x32xf32, #tpu.memory_space<hbm>> -> memref<128x32xf32, #tpu.memory_space<hbm>>
      tpu.wait_dma2 semaphore(%arg11 : memref<!tpu.dma_semaphore, #tpu.memory_space<semaphore_mem>>) src(%dma_wait3A_300 : memref<128x32xf32, #tpu.memory_space<hbm>>) dst(%dma_wait3A_297 : memref<128x32xf32, #tpu.memory_space<vmem>>)
      %dma_wait3A_301 = arith.constant 640 : i32
      %dma_wait3A_302 = arith.constant 0 : i32
      %dma_wait3A_303 = tpu.memref_slice %arg7[%dma_wait3A_301, %dma_wait3A_302] : memref<1280x32xf32, #tpu.memory_space<vmem>> -> memref<128x32xf32, #tpu.memory_space<vmem>>
      %dma_wait3A_304 = arith.constant 0 : i32
      %dma_wait3A_305 = arith.constant 0 : i32
      %dma_wait3A_306 = tpu.memref_slice %arg2[%dma_wait3A_304, %dma_wait3A_305] : memref<1000000x32xf32, #tpu.memory_space<hbm>> -> memref<128x32xf32, #tpu.memory_space<hbm>>
      %dma_wait3A_307 = arith.constant 640 : i32
      %dma_wait3A_308 = arith.constant 0 : i32
      %dma_wait3A_309 = tpu.memref_slice %arg7[%dma_wait3A_307, %dma_wait3A_308] : memref<1280x32xf32, #tpu.memory_space<vmem>> -> memref<128x32xf32, #tpu.memory_space<vmem>>
      %dma_wait3A_310 = arith.constant 0 : i32
      %dma_wait3A_311 = arith.constant 0 : i32
      %dma_wait3A_312 = tpu.memref_slice %arg2[%dma_wait3A_310, %dma_wait3A_311] : memref<1000000x32xf32, #tpu.memory_space<hbm>> -> memref<128x32xf32, #tpu.memory_space<hbm>>
      tpu.wait_dma2 semaphore(%arg11 : memref<!tpu.dma_semaphore, #tpu.memory_space<semaphore_mem>>) src(%dma_wait3A_312 : memref<128x32xf32, #tpu.memory_space<hbm>>) dst(%dma_wait3A_309 : memref<128x32xf32, #tpu.memory_space<vmem>>)
      %dma_wait3A_313 = arith.constant 768 : i32
      %dma_wait3A_314 = arith.constant 0 : i32
      %dma_wait3A_315 = tpu.memref_slice %arg7[%dma_wait3A_313, %dma_wait3A_314] : memref<1280x32xf32, #tpu.memory_space<vmem>> -> memref<128x32xf32, #tpu.memory_space<vmem>>
      %dma_wait3A_316 = arith.constant 0 : i32
      %dma_wait3A_317 = arith.constant 0 : i32
      %dma_wait3A_318 = tpu.memref_slice %arg2[%dma_wait3A_316, %dma_wait3A_317] : memref<1000000x32xf32, #tpu.memory_space<hbm>> -> memref<128x32xf32, #tpu.memory_space<hbm>>
      %dma_wait3A_319 = arith.constant 768 : i32
      %dma_wait3A_320 = arith.constant 0 : i32
      %dma_wait3A_321 = tpu.memref_slice %arg7[%dma_wait3A_319, %dma_wait3A_320] : memref<1280x32xf32, #tpu.memory_space<vmem>> -> memref<128x32xf32, #tpu.memory_space<vmem>>
      %dma_wait3A_322 = arith.constant 0 : i32
      %dma_wait3A_323 = arith.constant 0 : i32
      %dma_wait3A_324 = tpu.memref_slice %arg2[%dma_wait3A_322, %dma_wait3A_323] : memref<1000000x32xf32, #tpu.memory_space<hbm>> -> memref<128x32xf32, #tpu.memory_space<hbm>>
      tpu.wait_dma2 semaphore(%arg11 : memref<!tpu.dma_semaphore, #tpu.memory_space<semaphore_mem>>) src(%dma_wait3A_324 : memref<128x32xf32, #tpu.memory_space<hbm>>) dst(%dma_wait3A_321 : memref<128x32xf32, #tpu.memory_space<vmem>>)
      %dma_wait3A_325 = arith.constant 896 : i32
      %dma_wait3A_326 = arith.constant 0 : i32
      %dma_wait3A_327 = tpu.memref_slice %arg7[%dma_wait3A_325, %dma_wait3A_326] : memref<1280x32xf32, #tpu.memory_space<vmem>> -> memref<128x32xf32, #tpu.memory_space<vmem>>
      %dma_wait3A_328 = arith.constant 0 : i32
      %dma_wait3A_329 = arith.constant 0 : i32
      %dma_wait3A_330 = tpu.memref_slice %arg2[%dma_wait3A_328, %dma_wait3A_329] : memref<1000000x32xf32, #tpu.memory_space<hbm>> -> memref<128x32xf32, #tpu.memory_space<hbm>>
      %dma_wait3A_331 = arith.constant 896 : i32
      %dma_wait3A_332 = arith.constant 0 : i32
      %dma_wait3A_333 = tpu.memref_slice %arg7[%dma_wait3A_331, %dma_wait3A_332] : memref<1280x32xf32, #tpu.memory_space<vmem>> -> memref<128x32xf32, #tpu.memory_space<vmem>>
      %dma_wait3A_334 = arith.constant 0 : i32
      %dma_wait3A_335 = arith.constant 0 : i32
      %dma_wait3A_336 = tpu.memref_slice %arg2[%dma_wait3A_334, %dma_wait3A_335] : memref<1000000x32xf32, #tpu.memory_space<hbm>> -> memref<128x32xf32, #tpu.memory_space<hbm>>
      tpu.wait_dma2 semaphore(%arg11 : memref<!tpu.dma_semaphore, #tpu.memory_space<semaphore_mem>>) src(%dma_wait3A_336 : memref<128x32xf32, #tpu.memory_space<hbm>>) dst(%dma_wait3A_333 : memref<128x32xf32, #tpu.memory_space<vmem>>)
      %dma_wait3A_337 = arith.constant 1024 : i32
      %dma_wait3A_338 = arith.constant 0 : i32
      %dma_wait3A_339 = tpu.memref_slice %arg7[%dma_wait3A_337, %dma_wait3A_338] : memref<1280x32xf32, #tpu.memory_space<vmem>> -> memref<128x32xf32, #tpu.memory_space<vmem>>
      %dma_wait3A_340 = arith.constant 0 : i32
      %dma_wait3A_341 = arith.constant 0 : i32
      %dma_wait3A_342 = tpu.memref_slice %arg2[%dma_wait3A_340, %dma_wait3A_341] : memref<1000000x32xf32, #tpu.memory_space<hbm>> -> memref<128x32xf32, #tpu.memory_space<hbm>>
      %dma_wait3A_343 = arith.constant 1024 : i32
      %dma_wait3A_344 = arith.constant 0 : i32
      %dma_wait3A_345 = tpu.memref_slice %arg7[%dma_wait3A_343, %dma_wait3A_344] : memref<1280x32xf32, #tpu.memory_space<vmem>> -> memref<128x32xf32, #tpu.memory_space<vmem>>
      %dma_wait3A_346 = arith.constant 0 : i32
      %dma_wait3A_347 = arith.constant 0 : i32
      %dma_wait3A_348 = tpu.memref_slice %arg2[%dma_wait3A_346, %dma_wait3A_347] : memref<1000000x32xf32, #tpu.memory_space<hbm>> -> memref<128x32xf32, #tpu.memory_space<hbm>>
      tpu.wait_dma2 semaphore(%arg11 : memref<!tpu.dma_semaphore, #tpu.memory_space<semaphore_mem>>) src(%dma_wait3A_348 : memref<128x32xf32, #tpu.memory_space<hbm>>) dst(%dma_wait3A_345 : memref<128x32xf32, #tpu.memory_space<vmem>>)
      %dma_wait3A_349 = arith.constant 1152 : i32
      %dma_wait3A_350 = arith.constant 0 : i32
      %dma_wait3A_351 = tpu.memref_slice %arg7[%dma_wait3A_349, %dma_wait3A_350] : memref<1280x32xf32, #tpu.memory_space<vmem>> -> memref<128x32xf32, #tpu.memory_space<vmem>>
      %dma_wait3A_352 = arith.constant 0 : i32
      %dma_wait3A_353 = arith.constant 0 : i32
      %dma_wait3A_354 = tpu.memref_slice %arg2[%dma_wait3A_352, %dma_wait3A_353] : memref<1000000x32xf32, #tpu.memory_space<hbm>> -> memref<128x32xf32, #tpu.memory_space<hbm>>
      %dma_wait3A_355 = arith.constant 1152 : i32
      %dma_wait3A_356 = arith.constant 0 : i32
      %dma_wait3A_357 = tpu.memref_slice %arg7[%dma_wait3A_355, %dma_wait3A_356] : memref<1280x32xf32, #tpu.memory_space<vmem>> -> memref<128x32xf32, #tpu.memory_space<vmem>>
      %dma_wait3A_358 = arith.constant 0 : i32
      %dma_wait3A_359 = arith.constant 0 : i32
      %dma_wait3A_360 = tpu.memref_slice %arg2[%dma_wait3A_358, %dma_wait3A_359] : memref<1000000x32xf32, #tpu.memory_space<hbm>> -> memref<128x32xf32, #tpu.memory_space<hbm>>
      tpu.wait_dma2 semaphore(%arg11 : memref<!tpu.dma_semaphore, #tpu.memory_space<semaphore_mem>>) src(%dma_wait3A_360 : memref<128x32xf32, #tpu.memory_space<hbm>>) dst(%dma_wait3A_357 : memref<128x32xf32, #tpu.memory_space<vmem>>)
      %dma_wait3A_361 = arith.constant 0 : i32
      %dma_wait3A_362 = tpu.memref_slice %arg3[%dma_wait3A_361] : memref<819200xi32, #tpu.memory_space<hbm>> -> memref<1280xi32, #tpu.memory_space<hbm>>
      %dma_wait3A_363 = arith.constant 0 : i32
      %dma_wait3A_364 = tpu.memref_slice %arg3[%dma_wait3A_363] : memref<819200xi32, #tpu.memory_space<hbm>> -> memref<1280xi32, #tpu.memory_space<hbm>>
      tpu.wait_dma2 semaphore(%arg10 : memref<!tpu.dma_semaphore, #tpu.memory_space<semaphore_mem>>) src(%dma_wait3A_364 : memref<1280xi32, #tpu.memory_space<hbm>>) dst(%arg6 : memref<1280xi32, #tpu.memory_space<vmem>>)
      %gt3A = arith.constant 0 : i32
      %gt3A_365 = arith.cmpi sgt, %add3A_238, %gt3A : i32
      %convert_element_type3A = arith.extui %gt3A_365 : i1 to i32
      %cond3A = arith.constant 0 : i32
      %cond3A_366 = arith.cmpi ne, %convert_element_type3A, %cond3A : i32
      scf.if %cond3A_366 {
        %dma_wait3A_691 = arith.constant 0 : i32
        %dma_wait3A_692 = arith.constant 0 : i32
        %dma_wait3A_693 = tpu.memref_slice %arg4[%dma_wait3A_691, %dma_wait3A_692] : memref<819200x32xf32, #tpu.memory_space<hbm>> -> memref<1280x32xf32, #tpu.memory_space<hbm>>
        %dma_wait3A_694 = arith.constant 0 : i32
        %dma_wait3A_695 = arith.constant 0 : i32
        %dma_wait3A_696 = tpu.memref_slice %arg4[%dma_wait3A_694, %dma_wait3A_695] : memref<819200x32xf32, #tpu.memory_space<hbm>> -> memref<1280x32xf32, #tpu.memory_space<hbm>>
        tpu.wait_dma2 semaphore(%arg14 : memref<!tpu.dma_semaphore, #tpu.memory_space<semaphore_mem>>) src(%arg8 : memref<1280x32xf32, #tpu.memory_space<vmem>>) dst(%dma_wait3A_696 : memref<1280x32xf32, #tpu.memory_space<hbm>>)
      } else {
      }
      %dma_start3A_367 = arith.constant 0 : i32
      %dma_start3A_368 = arith.constant 0 : i32
      %dma_start3A_369 = tpu.memref_slice %arg8[%dma_start3A_367, %dma_start3A_368] : memref<1280x32xf32, #tpu.memory_space<vmem>> -> memref<128x32xf32, #tpu.memory_space<vmem>>
      %dma_start3A_370 = arith.constant 0 : i32
      %dma_start3A_371 = tpu.memref_slice %arg6[%dma_start3A_370] : memref<1280xi32, #tpu.memory_space<vmem>> -> memref<128xi32, #tpu.memory_space<vmem>>
      %dma_start3A_372 = arith.constant 0 : i32
      %dma_start3A_373 = arith.constant 0 : i32
      %dma_start3A_374 = tpu.memref_slice %arg2[%dma_start3A_372, %dma_start3A_373] : memref<1000000x32xf32, #tpu.memory_space<hbm>> -> memref<1000000x32xf32, #tpu.memory_space<hbm>>
      tpu.enqueue_indirect_dma source(%dma_start3A_374 : memref<1000000x32xf32, #tpu.memory_space<hbm>>) target(%dma_start3A_369 : memref<128x32xf32, #tpu.memory_space<vmem>>) offsets(%dma_start3A_371 : memref<128xi32, #tpu.memory_space<vmem>>) semaphore(%arg12 : memref<!tpu.dma_semaphore, #tpu.memory_space<semaphore_mem>>)
      %dma_start3A_375 = arith.constant 128 : i32
      %dma_start3A_376 = arith.constant 0 : i32
      %dma_start3A_377 = tpu.memref_slice %arg8[%dma_start3A_375, %dma_start3A_376] : memref<1280x32xf32, #tpu.memory_space<vmem>> -> memref<128x32xf32, #tpu.memory_space<vmem>>
      %dma_start3A_378 = arith.constant 128 : i32
      %dma_start3A_379 = tpu.memref_slice %arg6[%dma_start3A_378] : memref<1280xi32, #tpu.memory_space<vmem>> -> memref<128xi32, #tpu.memory_space<vmem>>
      %dma_start3A_380 = arith.constant 0 : i32
      %dma_start3A_381 = arith.constant 0 : i32
      %dma_start3A_382 = tpu.memref_slice %arg2[%dma_start3A_380, %dma_start3A_381] : memref<1000000x32xf32, #tpu.memory_space<hbm>> -> memref<1000000x32xf32, #tpu.memory_space<hbm>>
      tpu.enqueue_indirect_dma source(%dma_start3A_382 : memref<1000000x32xf32, #tpu.memory_space<hbm>>) target(%dma_start3A_377 : memref<128x32xf32, #tpu.memory_space<vmem>>) offsets(%dma_start3A_379 : memref<128xi32, #tpu.memory_space<vmem>>) semaphore(%arg12 : memref<!tpu.dma_semaphore, #tpu.memory_space<semaphore_mem>>)
      %dma_start3A_383 = arith.constant 256 : i32
      %dma_start3A_384 = arith.constant 0 : i32
      %dma_start3A_385 = tpu.memref_slice %arg8[%dma_start3A_383, %dma_start3A_384] : memref<1280x32xf32, #tpu.memory_space<vmem>> -> memref<128x32xf32, #tpu.memory_space<vmem>>
      %dma_start3A_386 = arith.constant 256 : i32
      %dma_start3A_387 = tpu.memref_slice %arg6[%dma_start3A_386] : memref<1280xi32, #tpu.memory_space<vmem>> -> memref<128xi32, #tpu.memory_space<vmem>>
      %dma_start3A_388 = arith.constant 0 : i32
      %dma_start3A_389 = arith.constant 0 : i32
      %dma_start3A_390 = tpu.memref_slice %arg2[%dma_start3A_388, %dma_start3A_389] : memref<1000000x32xf32, #tpu.memory_space<hbm>> -> memref<1000000x32xf32, #tpu.memory_space<hbm>>
      tpu.enqueue_indirect_dma source(%dma_start3A_390 : memref<1000000x32xf32, #tpu.memory_space<hbm>>) target(%dma_start3A_385 : memref<128x32xf32, #tpu.memory_space<vmem>>) offsets(%dma_start3A_387 : memref<128xi32, #tpu.memory_space<vmem>>) semaphore(%arg12 : memref<!tpu.dma_semaphore, #tpu.memory_space<semaphore_mem>>)
      %dma_start3A_391 = arith.constant 384 : i32
      %dma_start3A_392 = arith.constant 0 : i32
      %dma_start3A_393 = tpu.memref_slice %arg8[%dma_start3A_391, %dma_start3A_392] : memref<1280x32xf32, #tpu.memory_space<vmem>> -> memref<128x32xf32, #tpu.memory_space<vmem>>
      %dma_start3A_394 = arith.constant 384 : i32
      %dma_start3A_395 = tpu.memref_slice %arg6[%dma_start3A_394] : memref<1280xi32, #tpu.memory_space<vmem>> -> memref<128xi32, #tpu.memory_space<vmem>>
      %dma_start3A_396 = arith.constant 0 : i32
      %dma_start3A_397 = arith.constant 0 : i32
      %dma_start3A_398 = tpu.memref_slice %arg2[%dma_start3A_396, %dma_start3A_397] : memref<1000000x32xf32, #tpu.memory_space<hbm>> -> memref<1000000x32xf32, #tpu.memory_space<hbm>>
      tpu.enqueue_indirect_dma source(%dma_start3A_398 : memref<1000000x32xf32, #tpu.memory_space<hbm>>) target(%dma_start3A_393 : memref<128x32xf32, #tpu.memory_space<vmem>>) offsets(%dma_start3A_395 : memref<128xi32, #tpu.memory_space<vmem>>) semaphore(%arg12 : memref<!tpu.dma_semaphore, #tpu.memory_space<semaphore_mem>>)
      %dma_start3A_399 = arith.constant 512 : i32
      %dma_start3A_400 = arith.constant 0 : i32
      %dma_start3A_401 = tpu.memref_slice %arg8[%dma_start3A_399, %dma_start3A_400] : memref<1280x32xf32, #tpu.memory_space<vmem>> -> memref<128x32xf32, #tpu.memory_space<vmem>>
      %dma_start3A_402 = arith.constant 512 : i32
      %dma_start3A_403 = tpu.memref_slice %arg6[%dma_start3A_402] : memref<1280xi32, #tpu.memory_space<vmem>> -> memref<128xi32, #tpu.memory_space<vmem>>
      %dma_start3A_404 = arith.constant 0 : i32
      %dma_start3A_405 = arith.constant 0 : i32
      %dma_start3A_406 = tpu.memref_slice %arg2[%dma_start3A_404, %dma_start3A_405] : memref<1000000x32xf32, #tpu.memory_space<hbm>> -> memref<1000000x32xf32, #tpu.memory_space<hbm>>
      tpu.enqueue_indirect_dma source(%dma_start3A_406 : memref<1000000x32xf32, #tpu.memory_space<hbm>>) target(%dma_start3A_401 : memref<128x32xf32, #tpu.memory_space<vmem>>) offsets(%dma_start3A_403 : memref<128xi32, #tpu.memory_space<vmem>>) semaphore(%arg12 : memref<!tpu.dma_semaphore, #tpu.memory_space<semaphore_mem>>)
      %dma_start3A_407 = arith.constant 640 : i32
      %dma_start3A_408 = arith.constant 0 : i32
      %dma_start3A_409 = tpu.memref_slice %arg8[%dma_start3A_407, %dma_start3A_408] : memref<1280x32xf32, #tpu.memory_space<vmem>> -> memref<128x32xf32, #tpu.memory_space<vmem>>
      %dma_start3A_410 = arith.constant 640 : i32
      %dma_start3A_411 = tpu.memref_slice %arg6[%dma_start3A_410] : memref<1280xi32, #tpu.memory_space<vmem>> -> memref<128xi32, #tpu.memory_space<vmem>>
      %dma_start3A_412 = arith.constant 0 : i32
      %dma_start3A_413 = arith.constant 0 : i32
      %dma_start3A_414 = tpu.memref_slice %arg2[%dma_start3A_412, %dma_start3A_413] : memref<1000000x32xf32, #tpu.memory_space<hbm>> -> memref<1000000x32xf32, #tpu.memory_space<hbm>>
      tpu.enqueue_indirect_dma source(%dma_start3A_414 : memref<1000000x32xf32, #tpu.memory_space<hbm>>) target(%dma_start3A_409 : memref<128x32xf32, #tpu.memory_space<vmem>>) offsets(%dma_start3A_411 : memref<128xi32, #tpu.memory_space<vmem>>) semaphore(%arg12 : memref<!tpu.dma_semaphore, #tpu.memory_space<semaphore_mem>>)
      %dma_start3A_415 = arith.constant 768 : i32
      %dma_start3A_416 = arith.constant 0 : i32
      %dma_start3A_417 = tpu.memref_slice %arg8[%dma_start3A_415, %dma_start3A_416] : memref<1280x32xf32, #tpu.memory_space<vmem>> -> memref<128x32xf32, #tpu.memory_space<vmem>>
      %dma_start3A_418 = arith.constant 768 : i32
      %dma_start3A_419 = tpu.memref_slice %arg6[%dma_start3A_418] : memref<1280xi32, #tpu.memory_space<vmem>> -> memref<128xi32, #tpu.memory_space<vmem>>
      %dma_start3A_420 = arith.constant 0 : i32
      %dma_start3A_421 = arith.constant 0 : i32
      %dma_start3A_422 = tpu.memref_slice %arg2[%dma_start3A_420, %dma_start3A_421] : memref<1000000x32xf32, #tpu.memory_space<hbm>> -> memref<1000000x32xf32, #tpu.memory_space<hbm>>
      tpu.enqueue_indirect_dma source(%dma_start3A_422 : memref<1000000x32xf32, #tpu.memory_space<hbm>>) target(%dma_start3A_417 : memref<128x32xf32, #tpu.memory_space<vmem>>) offsets(%dma_start3A_419 : memref<128xi32, #tpu.memory_space<vmem>>) semaphore(%arg12 : memref<!tpu.dma_semaphore, #tpu.memory_space<semaphore_mem>>)
      %dma_start3A_423 = arith.constant 896 : i32
      %dma_start3A_424 = arith.constant 0 : i32
      %dma_start3A_425 = tpu.memref_slice %arg8[%dma_start3A_423, %dma_start3A_424] : memref<1280x32xf32, #tpu.memory_space<vmem>> -> memref<128x32xf32, #tpu.memory_space<vmem>>
      %dma_start3A_426 = arith.constant 896 : i32
      %dma_start3A_427 = tpu.memref_slice %arg6[%dma_start3A_426] : memref<1280xi32, #tpu.memory_space<vmem>> -> memref<128xi32, #tpu.memory_space<vmem>>
      %dma_start3A_428 = arith.constant 0 : i32
      %dma_start3A_429 = arith.constant 0 : i32
      %dma_start3A_430 = tpu.memref_slice %arg2[%dma_start3A_428, %dma_start3A_429] : memref<1000000x32xf32, #tpu.memory_space<hbm>> -> memref<1000000x32xf32, #tpu.memory_space<hbm>>
      tpu.enqueue_indirect_dma source(%dma_start3A_430 : memref<1000000x32xf32, #tpu.memory_space<hbm>>) target(%dma_start3A_425 : memref<128x32xf32, #tpu.memory_space<vmem>>) offsets(%dma_start3A_427 : memref<128xi32, #tpu.memory_space<vmem>>) semaphore(%arg12 : memref<!tpu.dma_semaphore, #tpu.memory_space<semaphore_mem>>)
      %dma_start3A_431 = arith.constant 1024 : i32
      %dma_start3A_432 = arith.constant 0 : i32
      %dma_start3A_433 = tpu.memref_slice %arg8[%dma_start3A_431, %dma_start3A_432] : memref<1280x32xf32, #tpu.memory_space<vmem>> -> memref<128x32xf32, #tpu.memory_space<vmem>>
      %dma_start3A_434 = arith.constant 1024 : i32
      %dma_start3A_435 = tpu.memref_slice %arg6[%dma_start3A_434] : memref<1280xi32, #tpu.memory_space<vmem>> -> memref<128xi32, #tpu.memory_space<vmem>>
      %dma_start3A_436 = arith.constant 0 : i32
      %dma_start3A_437 = arith.constant 0 : i32
      %dma_start3A_438 = tpu.memref_slice %arg2[%dma_start3A_436, %dma_start3A_437] : memref<1000000x32xf32, #tpu.memory_space<hbm>> -> memref<1000000x32xf32, #tpu.memory_space<hbm>>
      tpu.enqueue_indirect_dma source(%dma_start3A_438 : memref<1000000x32xf32, #tpu.memory_space<hbm>>) target(%dma_start3A_433 : memref<128x32xf32, #tpu.memory_space<vmem>>) offsets(%dma_start3A_435 : memref<128xi32, #tpu.memory_space<vmem>>) semaphore(%arg12 : memref<!tpu.dma_semaphore, #tpu.memory_space<semaphore_mem>>)
      %dma_start3A_439 = arith.constant 1152 : i32
      %dma_start3A_440 = arith.constant 0 : i32
      %dma_start3A_441 = tpu.memref_slice %arg8[%dma_start3A_439, %dma_start3A_440] : memref<1280x32xf32, #tpu.memory_space<vmem>> -> memref<128x32xf32, #tpu.memory_space<vmem>>
      %dma_start3A_442 = arith.constant 1152 : i32
      %dma_start3A_443 = tpu.memref_slice %arg6[%dma_start3A_442] : memref<1280xi32, #tpu.memory_space<vmem>> -> memref<128xi32, #tpu.memory_space<vmem>>
      %dma_start3A_444 = arith.constant 0 : i32
      %dma_start3A_445 = arith.constant 0 : i32
      %dma_start3A_446 = tpu.memref_slice %arg2[%dma_start3A_444, %dma_start3A_445] : memref<1000000x32xf32, #tpu.memory_space<hbm>> -> memref<1000000x32xf32, #tpu.memory_space<hbm>>
      tpu.enqueue_indirect_dma source(%dma_start3A_446 : memref<1000000x32xf32, #tpu.memory_space<hbm>>) target(%dma_start3A_441 : memref<128x32xf32, #tpu.memory_space<vmem>>) offsets(%dma_start3A_443 : memref<128xi32, #tpu.memory_space<vmem>>) semaphore(%arg12 : memref<!tpu.dma_semaphore, #tpu.memory_space<semaphore_mem>>)
      %mul3A_447 = arith.constant 1280 : i32
      %mul3A_448 = arith.muli %mul3A_240, %mul3A_447 : i32
      %add3A_449 = arith.addi %mul3A_2, %mul3A_448 : i32
      %dma_start3A_450 = arith.constant 0 : i32
      %dma_start3A_451 = tpu.memref_slice %arg4[%add3A_449, %dma_start3A_450] : memref<819200x32xf32, #tpu.memory_space<hbm>> -> memref<1280x32xf32, #tpu.memory_space<hbm>>
      %dma_start3A_452 = arith.constant 0 : i32
      %dma_start3A_453 = tpu.memref_slice %arg4[%add3A_449, %dma_start3A_452] : memref<819200x32xf32, #tpu.memory_space<hbm>> -> memref<1280x32xf32, #tpu.memory_space<hbm>>
      tpu.enqueue_dma source(%arg7 : memref<1280x32xf32, #tpu.memory_space<vmem>>) target(%dma_start3A_453 : memref<1280x32xf32, #tpu.memory_space<hbm>>) target_semaphore(%arg13 : memref<!tpu.dma_semaphore, #tpu.memory_space<semaphore_mem>>)
      %add3A_454 = arith.constant 2 : i32
      %add3A_455 = arith.addi %mul3A_240, %add3A_454 : i32
      %min3A_456 = arith.constant 19 : i32
      %min3A_457 = arith.minsi %add3A_455, %min3A_456 : i32
      %mul3A_458 = arith.constant 1280 : i32
      %mul3A_459 = arith.muli %min3A_457, %mul3A_458 : i32
      %add3A_460 = arith.addi %mul3A_2, %mul3A_459 : i32
      %dma_start3A_461 = tpu.memref_slice %arg3[%add3A_460] : memref<819200xi32, #tpu.memory_space<hbm>> -> memref<1280xi32, #tpu.memory_space<hbm>>
      %dma_start3A_462 = tpu.memref_slice %arg3[%add3A_460] : memref<819200xi32, #tpu.memory_space<hbm>> -> memref<1280xi32, #tpu.memory_space<hbm>>
      tpu.enqueue_dma source(%dma_start3A_462 : memref<1280xi32, #tpu.memory_space<hbm>>) target(%arg5 : memref<1280xi32, #tpu.memory_space<vmem>>) target_semaphore(%arg9 : memref<!tpu.dma_semaphore, #tpu.memory_space<semaphore_mem>>)
      %dma_wait3A_463 = arith.constant 0 : i32
      %dma_wait3A_464 = arith.constant 0 : i32
      %dma_wait3A_465 = tpu.memref_slice %arg8[%dma_wait3A_463, %dma_wait3A_464] : memref<1280x32xf32, #tpu.memory_space<vmem>> -> memref<128x32xf32, #tpu.memory_space<vmem>>
      %dma_wait3A_466 = arith.constant 0 : i32
      %dma_wait3A_467 = arith.constant 0 : i32
      %dma_wait3A_468 = tpu.memref_slice %arg2[%dma_wait3A_466, %dma_wait3A_467] : memref<1000000x32xf32, #tpu.memory_space<hbm>> -> memref<128x32xf32, #tpu.memory_space<hbm>>
      %dma_wait3A_469 = arith.constant 0 : i32
      %dma_wait3A_470 = arith.constant 0 : i32
      %dma_wait3A_471 = tpu.memref_slice %arg8[%dma_wait3A_469, %dma_wait3A_470] : memref<1280x32xf32, #tpu.memory_space<vmem>> -> memref<128x32xf32, #tpu.memory_space<vmem>>
      %dma_wait3A_472 = arith.constant 0 : i32
      %dma_wait3A_473 = arith.constant 0 : i32
      %dma_wait3A_474 = tpu.memref_slice %arg2[%dma_wait3A_472, %dma_wait3A_473] : memref<1000000x32xf32, #tpu.memory_space<hbm>> -> memref<128x32xf32, #tpu.memory_space<hbm>>
      tpu.wait_dma2 semaphore(%arg12 : memref<!tpu.dma_semaphore, #tpu.memory_space<semaphore_mem>>) src(%dma_wait3A_474 : memref<128x32xf32, #tpu.memory_space<hbm>>) dst(%dma_wait3A_471 : memref<128x32xf32, #tpu.memory_space<vmem>>)
      %dma_wait3A_475 = arith.constant 128 : i32
      %dma_wait3A_476 = arith.constant 0 : i32
      %dma_wait3A_477 = tpu.memref_slice %arg8[%dma_wait3A_475, %dma_wait3A_476] : memref<1280x32xf32, #tpu.memory_space<vmem>> -> memref<128x32xf32, #tpu.memory_space<vmem>>
      %dma_wait3A_478 = arith.constant 0 : i32
      %dma_wait3A_479 = arith.constant 0 : i32
      %dma_wait3A_480 = tpu.memref_slice %arg2[%dma_wait3A_478, %dma_wait3A_479] : memref<1000000x32xf32, #tpu.memory_space<hbm>> -> memref<128x32xf32, #tpu.memory_space<hbm>>
      %dma_wait3A_481 = arith.constant 128 : i32
      %dma_wait3A_482 = arith.constant 0 : i32
      %dma_wait3A_483 = tpu.memref_slice %arg8[%dma_wait3A_481, %dma_wait3A_482] : memref<1280x32xf32, #tpu.memory_space<vmem>> -> memref<128x32xf32, #tpu.memory_space<vmem>>
      %dma_wait3A_484 = arith.constant 0 : i32
      %dma_wait3A_485 = arith.constant 0 : i32
      %dma_wait3A_486 = tpu.memref_slice %arg2[%dma_wait3A_484, %dma_wait3A_485] : memref<1000000x32xf32, #tpu.memory_space<hbm>> -> memref<128x32xf32, #tpu.memory_space<hbm>>
      tpu.wait_dma2 semaphore(%arg12 : memref<!tpu.dma_semaphore, #tpu.memory_space<semaphore_mem>>) src(%dma_wait3A_486 : memref<128x32xf32, #tpu.memory_space<hbm>>) dst(%dma_wait3A_483 : memref<128x32xf32, #tpu.memory_space<vmem>>)
      %dma_wait3A_487 = arith.constant 256 : i32
      %dma_wait3A_488 = arith.constant 0 : i32
      %dma_wait3A_489 = tpu.memref_slice %arg8[%dma_wait3A_487, %dma_wait3A_488] : memref<1280x32xf32, #tpu.memory_space<vmem>> -> memref<128x32xf32, #tpu.memory_space<vmem>>
      %dma_wait3A_490 = arith.constant 0 : i32
      %dma_wait3A_491 = arith.constant 0 : i32
      %dma_wait3A_492 = tpu.memref_slice %arg2[%dma_wait3A_490, %dma_wait3A_491] : memref<1000000x32xf32, #tpu.memory_space<hbm>> -> memref<128x32xf32, #tpu.memory_space<hbm>>
      %dma_wait3A_493 = arith.constant 256 : i32
      %dma_wait3A_494 = arith.constant 0 : i32
      %dma_wait3A_495 = tpu.memref_slice %arg8[%dma_wait3A_493, %dma_wait3A_494] : memref<1280x32xf32, #tpu.memory_space<vmem>> -> memref<128x32xf32, #tpu.memory_space<vmem>>
      %dma_wait3A_496 = arith.constant 0 : i32
      %dma_wait3A_497 = arith.constant 0 : i32
      %dma_wait3A_498 = tpu.memref_slice %arg2[%dma_wait3A_496, %dma_wait3A_497] : memref<1000000x32xf32, #tpu.memory_space<hbm>> -> memref<128x32xf32, #tpu.memory_space<hbm>>
      tpu.wait_dma2 semaphore(%arg12 : memref<!tpu.dma_semaphore, #tpu.memory_space<semaphore_mem>>) src(%dma_wait3A_498 : memref<128x32xf32, #tpu.memory_space<hbm>>) dst(%dma_wait3A_495 : memref<128x32xf32, #tpu.memory_space<vmem>>)
      %dma_wait3A_499 = arith.constant 384 : i32
      %dma_wait3A_500 = arith.constant 0 : i32
      %dma_wait3A_501 = tpu.memref_slice %arg8[%dma_wait3A_499, %dma_wait3A_500] : memref<1280x32xf32, #tpu.memory_space<vmem>> -> memref<128x32xf32, #tpu.memory_space<vmem>>
      %dma_wait3A_502 = arith.constant 0 : i32
      %dma_wait3A_503 = arith.constant 0 : i32
      %dma_wait3A_504 = tpu.memref_slice %arg2[%dma_wait3A_502, %dma_wait3A_503] : memref<1000000x32xf32, #tpu.memory_space<hbm>> -> memref<128x32xf32, #tpu.memory_space<hbm>>
      %dma_wait3A_505 = arith.constant 384 : i32
      %dma_wait3A_506 = arith.constant 0 : i32
      %dma_wait3A_507 = tpu.memref_slice %arg8[%dma_wait3A_505, %dma_wait3A_506] : memref<1280x32xf32, #tpu.memory_space<vmem>> -> memref<128x32xf32, #tpu.memory_space<vmem>>
      %dma_wait3A_508 = arith.constant 0 : i32
      %dma_wait3A_509 = arith.constant 0 : i32
      %dma_wait3A_510 = tpu.memref_slice %arg2[%dma_wait3A_508, %dma_wait3A_509] : memref<1000000x32xf32, #tpu.memory_space<hbm>> -> memref<128x32xf32, #tpu.memory_space<hbm>>
      tpu.wait_dma2 semaphore(%arg12 : memref<!tpu.dma_semaphore, #tpu.memory_space<semaphore_mem>>) src(%dma_wait3A_510 : memref<128x32xf32, #tpu.memory_space<hbm>>) dst(%dma_wait3A_507 : memref<128x32xf32, #tpu.memory_space<vmem>>)
      %dma_wait3A_511 = arith.constant 512 : i32
      %dma_wait3A_512 = arith.constant 0 : i32
      %dma_wait3A_513 = tpu.memref_slice %arg8[%dma_wait3A_511, %dma_wait3A_512] : memref<1280x32xf32, #tpu.memory_space<vmem>> -> memref<128x32xf32, #tpu.memory_space<vmem>>
      %dma_wait3A_514 = arith.constant 0 : i32
      %dma_wait3A_515 = arith.constant 0 : i32
      %dma_wait3A_516 = tpu.memref_slice %arg2[%dma_wait3A_514, %dma_wait3A_515] : memref<1000000x32xf32, #tpu.memory_space<hbm>> -> memref<128x32xf32, #tpu.memory_space<hbm>>
      %dma_wait3A_517 = arith.constant 512 : i32
      %dma_wait3A_518 = arith.constant 0 : i32
      %dma_wait3A_519 = tpu.memref_slice %arg8[%dma_wait3A_517, %dma_wait3A_518] : memref<1280x32xf32, #tpu.memory_space<vmem>> -> memref<128x32xf32, #tpu.memory_space<vmem>>
      %dma_wait3A_520 = arith.constant 0 : i32
      %dma_wait3A_521 = arith.constant 0 : i32
      %dma_wait3A_522 = tpu.memref_slice %arg2[%dma_wait3A_520, %dma_wait3A_521] : memref<1000000x32xf32, #tpu.memory_space<hbm>> -> memref<128x32xf32, #tpu.memory_space<hbm>>
      tpu.wait_dma2 semaphore(%arg12 : memref<!tpu.dma_semaphore, #tpu.memory_space<semaphore_mem>>) src(%dma_wait3A_522 : memref<128x32xf32, #tpu.memory_space<hbm>>) dst(%dma_wait3A_519 : memref<128x32xf32, #tpu.memory_space<vmem>>)
      %dma_wait3A_523 = arith.constant 640 : i32
      %dma_wait3A_524 = arith.constant 0 : i32
      %dma_wait3A_525 = tpu.memref_slice %arg8[%dma_wait3A_523, %dma_wait3A_524] : memref<1280x32xf32, #tpu.memory_space<vmem>> -> memref<128x32xf32, #tpu.memory_space<vmem>>
      %dma_wait3A_526 = arith.constant 0 : i32
      %dma_wait3A_527 = arith.constant 0 : i32
      %dma_wait3A_528 = tpu.memref_slice %arg2[%dma_wait3A_526, %dma_wait3A_527] : memref<1000000x32xf32, #tpu.memory_space<hbm>> -> memref<128x32xf32, #tpu.memory_space<hbm>>
      %dma_wait3A_529 = arith.constant 640 : i32
      %dma_wait3A_530 = arith.constant 0 : i32
      %dma_wait3A_531 = tpu.memref_slice %arg8[%dma_wait3A_529, %dma_wait3A_530] : memref<1280x32xf32, #tpu.memory_space<vmem>> -> memref<128x32xf32, #tpu.memory_space<vmem>>
      %dma_wait3A_532 = arith.constant 0 : i32
      %dma_wait3A_533 = arith.constant 0 : i32
      %dma_wait3A_534 = tpu.memref_slice %arg2[%dma_wait3A_532, %dma_wait3A_533] : memref<1000000x32xf32, #tpu.memory_space<hbm>> -> memref<128x32xf32, #tpu.memory_space<hbm>>
      tpu.wait_dma2 semaphore(%arg12 : memref<!tpu.dma_semaphore, #tpu.memory_space<semaphore_mem>>) src(%dma_wait3A_534 : memref<128x32xf32, #tpu.memory_space<hbm>>) dst(%dma_wait3A_531 : memref<128x32xf32, #tpu.memory_space<vmem>>)
      %dma_wait3A_535 = arith.constant 768 : i32
      %dma_wait3A_536 = arith.constant 0 : i32
      %dma_wait3A_537 = tpu.memref_slice %arg8[%dma_wait3A_535, %dma_wait3A_536] : memref<1280x32xf32, #tpu.memory_space<vmem>> -> memref<128x32xf32, #tpu.memory_space<vmem>>
      %dma_wait3A_538 = arith.constant 0 : i32
      %dma_wait3A_539 = arith.constant 0 : i32
      %dma_wait3A_540 = tpu.memref_slice %arg2[%dma_wait3A_538, %dma_wait3A_539] : memref<1000000x32xf32, #tpu.memory_space<hbm>> -> memref<128x32xf32, #tpu.memory_space<hbm>>
      %dma_wait3A_541 = arith.constant 768 : i32
      %dma_wait3A_542 = arith.constant 0 : i32
      %dma_wait3A_543 = tpu.memref_slice %arg8[%dma_wait3A_541, %dma_wait3A_542] : memref<1280x32xf32, #tpu.memory_space<vmem>> -> memref<128x32xf32, #tpu.memory_space<vmem>>
      %dma_wait3A_544 = arith.constant 0 : i32
      %dma_wait3A_545 = arith.constant 0 : i32
      %dma_wait3A_546 = tpu.memref_slice %arg2[%dma_wait3A_544, %dma_wait3A_545] : memref<1000000x32xf32, #tpu.memory_space<hbm>> -> memref<128x32xf32, #tpu.memory_space<hbm>>
      tpu.wait_dma2 semaphore(%arg12 : memref<!tpu.dma_semaphore, #tpu.memory_space<semaphore_mem>>) src(%dma_wait3A_546 : memref<128x32xf32, #tpu.memory_space<hbm>>) dst(%dma_wait3A_543 : memref<128x32xf32, #tpu.memory_space<vmem>>)
      %dma_wait3A_547 = arith.constant 896 : i32
      %dma_wait3A_548 = arith.constant 0 : i32
      %dma_wait3A_549 = tpu.memref_slice %arg8[%dma_wait3A_547, %dma_wait3A_548] : memref<1280x32xf32, #tpu.memory_space<vmem>> -> memref<128x32xf32, #tpu.memory_space<vmem>>
      %dma_wait3A_550 = arith.constant 0 : i32
      %dma_wait3A_551 = arith.constant 0 : i32
      %dma_wait3A_552 = tpu.memref_slice %arg2[%dma_wait3A_550, %dma_wait3A_551] : memref<1000000x32xf32, #tpu.memory_space<hbm>> -> memref<128x32xf32, #tpu.memory_space<hbm>>
      %dma_wait3A_553 = arith.constant 896 : i32
      %dma_wait3A_554 = arith.constant 0 : i32
      %dma_wait3A_555 = tpu.memref_slice %arg8[%dma_wait3A_553, %dma_wait3A_554] : memref<1280x32xf32, #tpu.memory_space<vmem>> -> memref<128x32xf32, #tpu.memory_space<vmem>>
      %dma_wait3A_556 = arith.constant 0 : i32
      %dma_wait3A_557 = arith.constant 0 : i32
      %dma_wait3A_558 = tpu.memref_slice %arg2[%dma_wait3A_556, %dma_wait3A_557] : memref<1000000x32xf32, #tpu.memory_space<hbm>> -> memref<128x32xf32, #tpu.memory_space<hbm>>
      tpu.wait_dma2 semaphore(%arg12 : memref<!tpu.dma_semaphore, #tpu.memory_space<semaphore_mem>>) src(%dma_wait3A_558 : memref<128x32xf32, #tpu.memory_space<hbm>>) dst(%dma_wait3A_555 : memref<128x32xf32, #tpu.memory_space<vmem>>)
      %dma_wait3A_559 = arith.constant 1024 : i32
      %dma_wait3A_560 = arith.constant 0 : i32
      %dma_wait3A_561 = tpu.memref_slice %arg8[%dma_wait3A_559, %dma_wait3A_560] : memref<1280x32xf32, #tpu.memory_space<vmem>> -> memref<128x32xf32, #tpu.memory_space<vmem>>
      %dma_wait3A_562 = arith.constant 0 : i32
      %dma_wait3A_563 = arith.constant 0 : i32
      %dma_wait3A_564 = tpu.memref_slice %arg2[%dma_wait3A_562, %dma_wait3A_563] : memref<1000000x32xf32, #tpu.memory_space<hbm>> -> memref<128x32xf32, #tpu.memory_space<hbm>>
      %dma_wait3A_565 = arith.constant 1024 : i32
      %dma_wait3A_566 = arith.constant 0 : i32
      %dma_wait3A_567 = tpu.memref_slice %arg8[%dma_wait3A_565, %dma_wait3A_566] : memref<1280x32xf32, #tpu.memory_space<vmem>> -> memref<128x32xf32, #tpu.memory_space<vmem>>
      %dma_wait3A_568 = arith.constant 0 : i32
      %dma_wait3A_569 = arith.constant 0 : i32
      %dma_wait3A_570 = tpu.memref_slice %arg2[%dma_wait3A_568, %dma_wait3A_569] : memref<1000000x32xf32, #tpu.memory_space<hbm>> -> memref<128x32xf32, #tpu.memory_space<hbm>>
      tpu.wait_dma2 semaphore(%arg12 : memref<!tpu.dma_semaphore, #tpu.memory_space<semaphore_mem>>) src(%dma_wait3A_570 : memref<128x32xf32, #tpu.memory_space<hbm>>) dst(%dma_wait3A_567 : memref<128x32xf32, #tpu.memory_space<vmem>>)
      %dma_wait3A_571 = arith.constant 1152 : i32
      %dma_wait3A_572 = arith.constant 0 : i32
      %dma_wait3A_573 = tpu.memref_slice %arg8[%dma_wait3A_571, %dma_wait3A_572] : memref<1280x32xf32, #tpu.memory_space<vmem>> -> memref<128x32xf32, #tpu.memory_space<vmem>>
      %dma_wait3A_574 = arith.constant 0 : i32
      %dma_wait3A_575 = arith.constant 0 : i32
      %dma_wait3A_576 = tpu.memref_slice %arg2[%dma_wait3A_574, %dma_wait3A_575] : memref<1000000x32xf32, #tpu.memory_space<hbm>> -> memref<128x32xf32, #tpu.memory_space<hbm>>
      %dma_wait3A_577 = arith.constant 1152 : i32
      %dma_wait3A_578 = arith.constant 0 : i32
      %dma_wait3A_579 = tpu.memref_slice %arg8[%dma_wait3A_577, %dma_wait3A_578] : memref<1280x32xf32, #tpu.memory_space<vmem>> -> memref<128x32xf32, #tpu.memory_space<vmem>>
      %dma_wait3A_580 = arith.constant 0 : i32
      %dma_wait3A_581 = arith.constant 0 : i32
      %dma_wait3A_582 = tpu.memref_slice %arg2[%dma_wait3A_580, %dma_wait3A_581] : memref<1000000x32xf32, #tpu.memory_space<hbm>> -> memref<128x32xf32, #tpu.memory_space<hbm>>
      tpu.wait_dma2 semaphore(%arg12 : memref<!tpu.dma_semaphore, #tpu.memory_space<semaphore_mem>>) src(%dma_wait3A_582 : memref<128x32xf32, #tpu.memory_space<hbm>>) dst(%dma_wait3A_579 : memref<128x32xf32, #tpu.memory_space<vmem>>)
      %dma_wait3A_583 = arith.constant 0 : i32
      %dma_wait3A_584 = tpu.memref_slice %arg3[%dma_wait3A_583] : memref<819200xi32, #tpu.memory_space<hbm>> -> memref<1280xi32, #tpu.memory_space<hbm>>
      %dma_wait3A_585 = arith.constant 0 : i32
      %dma_wait3A_586 = tpu.memref_slice %arg3[%dma_wait3A_585] : memref<819200xi32, #tpu.memory_space<hbm>> -> memref<1280xi32, #tpu.memory_space<hbm>>
      tpu.wait_dma2 semaphore(%arg9 : memref<!tpu.dma_semaphore, #tpu.memory_space<semaphore_mem>>) src(%dma_wait3A_586 : memref<1280xi32, #tpu.memory_space<hbm>>) dst(%arg5 : memref<1280xi32, #tpu.memory_space<vmem>>)
      %dma_wait3A_587 = arith.constant 0 : i32
      %dma_wait3A_588 = arith.constant 0 : i32
      %dma_wait3A_589 = tpu.memref_slice %arg4[%dma_wait3A_587, %dma_wait3A_588] : memref<819200x32xf32, #tpu.memory_space<hbm>> -> memref<1280x32xf32, #tpu.memory_space<hbm>>
      %dma_wait3A_590 = arith.constant 0 : i32
      %dma_wait3A_591 = arith.constant 0 : i32
      %dma_wait3A_592 = tpu.memref_slice %arg4[%dma_wait3A_590, %dma_wait3A_591] : memref<819200x32xf32, #tpu.memory_space<hbm>> -> memref<1280x32xf32, #tpu.memory_space<hbm>>
      tpu.wait_dma2 semaphore(%arg13 : memref<!tpu.dma_semaphore, #tpu.memory_space<semaphore_mem>>) src(%arg7 : memref<1280x32xf32, #tpu.memory_space<vmem>>) dst(%dma_wait3A_592 : memref<1280x32xf32, #tpu.memory_space<hbm>>)
      %dma_start3A_593 = arith.constant 0 : i32
      %dma_start3A_594 = arith.constant 0 : i32
      %dma_start3A_595 = tpu.memref_slice %arg7[%dma_start3A_593, %dma_start3A_594] : memref<1280x32xf32, #tpu.memory_space<vmem>> -> memref<128x32xf32, #tpu.memory_space<vmem>>
      %dma_start3A_596 = arith.constant 0 : i32
      %dma_start3A_597 = tpu.memref_slice %arg5[%dma_start3A_596] : memref<1280xi32, #tpu.memory_space<vmem>> -> memref<128xi32, #tpu.memory_space<vmem>>
      %dma_start3A_598 = arith.constant 0 : i32
      %dma_start3A_599 = arith.constant 0 : i32
      %dma_start3A_600 = tpu.memref_slice %arg2[%dma_start3A_598, %dma_start3A_599] : memref<1000000x32xf32, #tpu.memory_space<hbm>> -> memref<1000000x32xf32, #tpu.memory_space<hbm>>
      tpu.enqueue_indirect_dma source(%dma_start3A_600 : memref<1000000x32xf32, #tpu.memory_space<hbm>>) target(%dma_start3A_595 : memref<128x32xf32, #tpu.memory_space<vmem>>) offsets(%dma_start3A_597 : memref<128xi32, #tpu.memory_space<vmem>>) semaphore(%arg11 : memref<!tpu.dma_semaphore, #tpu.memory_space<semaphore_mem>>)
      %dma_start3A_601 = arith.constant 128 : i32
      %dma_start3A_602 = arith.constant 0 : i32
      %dma_start3A_603 = tpu.memref_slice %arg7[%dma_start3A_601, %dma_start3A_602] : memref<1280x32xf32, #tpu.memory_space<vmem>> -> memref<128x32xf32, #tpu.memory_space<vmem>>
      %dma_start3A_604 = arith.constant 128 : i32
      %dma_start3A_605 = tpu.memref_slice %arg5[%dma_start3A_604] : memref<1280xi32, #tpu.memory_space<vmem>> -> memref<128xi32, #tpu.memory_space<vmem>>
      %dma_start3A_606 = arith.constant 0 : i32
      %dma_start3A_607 = arith.constant 0 : i32
      %dma_start3A_608 = tpu.memref_slice %arg2[%dma_start3A_606, %dma_start3A_607] : memref<1000000x32xf32, #tpu.memory_space<hbm>> -> memref<1000000x32xf32, #tpu.memory_space<hbm>>
      tpu.enqueue_indirect_dma source(%dma_start3A_608 : memref<1000000x32xf32, #tpu.memory_space<hbm>>) target(%dma_start3A_603 : memref<128x32xf32, #tpu.memory_space<vmem>>) offsets(%dma_start3A_605 : memref<128xi32, #tpu.memory_space<vmem>>) semaphore(%arg11 : memref<!tpu.dma_semaphore, #tpu.memory_space<semaphore_mem>>)
      %dma_start3A_609 = arith.constant 256 : i32
      %dma_start3A_610 = arith.constant 0 : i32
      %dma_start3A_611 = tpu.memref_slice %arg7[%dma_start3A_609, %dma_start3A_610] : memref<1280x32xf32, #tpu.memory_space<vmem>> -> memref<128x32xf32, #tpu.memory_space<vmem>>
      %dma_start3A_612 = arith.constant 256 : i32
      %dma_start3A_613 = tpu.memref_slice %arg5[%dma_start3A_612] : memref<1280xi32, #tpu.memory_space<vmem>> -> memref<128xi32, #tpu.memory_space<vmem>>
      %dma_start3A_614 = arith.constant 0 : i32
      %dma_start3A_615 = arith.constant 0 : i32
      %dma_start3A_616 = tpu.memref_slice %arg2[%dma_start3A_614, %dma_start3A_615] : memref<1000000x32xf32, #tpu.memory_space<hbm>> -> memref<1000000x32xf32, #tpu.memory_space<hbm>>
      tpu.enqueue_indirect_dma source(%dma_start3A_616 : memref<1000000x32xf32, #tpu.memory_space<hbm>>) target(%dma_start3A_611 : memref<128x32xf32, #tpu.memory_space<vmem>>) offsets(%dma_start3A_613 : memref<128xi32, #tpu.memory_space<vmem>>) semaphore(%arg11 : memref<!tpu.dma_semaphore, #tpu.memory_space<semaphore_mem>>)
      %dma_start3A_617 = arith.constant 384 : i32
      %dma_start3A_618 = arith.constant 0 : i32
      %dma_start3A_619 = tpu.memref_slice %arg7[%dma_start3A_617, %dma_start3A_618] : memref<1280x32xf32, #tpu.memory_space<vmem>> -> memref<128x32xf32, #tpu.memory_space<vmem>>
      %dma_start3A_620 = arith.constant 384 : i32
      %dma_start3A_621 = tpu.memref_slice %arg5[%dma_start3A_620] : memref<1280xi32, #tpu.memory_space<vmem>> -> memref<128xi32, #tpu.memory_space<vmem>>
      %dma_start3A_622 = arith.constant 0 : i32
      %dma_start3A_623 = arith.constant 0 : i32
      %dma_start3A_624 = tpu.memref_slice %arg2[%dma_start3A_622, %dma_start3A_623] : memref<1000000x32xf32, #tpu.memory_space<hbm>> -> memref<1000000x32xf32, #tpu.memory_space<hbm>>
      tpu.enqueue_indirect_dma source(%dma_start3A_624 : memref<1000000x32xf32, #tpu.memory_space<hbm>>) target(%dma_start3A_619 : memref<128x32xf32, #tpu.memory_space<vmem>>) offsets(%dma_start3A_621 : memref<128xi32, #tpu.memory_space<vmem>>) semaphore(%arg11 : memref<!tpu.dma_semaphore, #tpu.memory_space<semaphore_mem>>)
      %dma_start3A_625 = arith.constant 512 : i32
      %dma_start3A_626 = arith.constant 0 : i32
      %dma_start3A_627 = tpu.memref_slice %arg7[%dma_start3A_625, %dma_start3A_626] : memref<1280x32xf32, #tpu.memory_space<vmem>> -> memref<128x32xf32, #tpu.memory_space<vmem>>
      %dma_start3A_628 = arith.constant 512 : i32
      %dma_start3A_629 = tpu.memref_slice %arg5[%dma_start3A_628] : memref<1280xi32, #tpu.memory_space<vmem>> -> memref<128xi32, #tpu.memory_space<vmem>>
      %dma_start3A_630 = arith.constant 0 : i32
      %dma_start3A_631 = arith.constant 0 : i32
      %dma_start3A_632 = tpu.memref_slice %arg2[%dma_start3A_630, %dma_start3A_631] : memref<1000000x32xf32, #tpu.memory_space<hbm>> -> memref<1000000x32xf32, #tpu.memory_space<hbm>>
      tpu.enqueue_indirect_dma source(%dma_start3A_632 : memref<1000000x32xf32, #tpu.memory_space<hbm>>) target(%dma_start3A_627 : memref<128x32xf32, #tpu.memory_space<vmem>>) offsets(%dma_start3A_629 : memref<128xi32, #tpu.memory_space<vmem>>) semaphore(%arg11 : memref<!tpu.dma_semaphore, #tpu.memory_space<semaphore_mem>>)
      %dma_start3A_633 = arith.constant 640 : i32
      %dma_start3A_634 = arith.constant 0 : i32
      %dma_start3A_635 = tpu.memref_slice %arg7[%dma_start3A_633, %dma_start3A_634] : memref<1280x32xf32, #tpu.memory_space<vmem>> -> memref<128x32xf32, #tpu.memory_space<vmem>>
      %dma_start3A_636 = arith.constant 640 : i32
      %dma_start3A_637 = tpu.memref_slice %arg5[%dma_start3A_636] : memref<1280xi32, #tpu.memory_space<vmem>> -> memref<128xi32, #tpu.memory_space<vmem>>
      %dma_start3A_638 = arith.constant 0 : i32
      %dma_start3A_639 = arith.constant 0 : i32
      %dma_start3A_640 = tpu.memref_slice %arg2[%dma_start3A_638, %dma_start3A_639] : memref<1000000x32xf32, #tpu.memory_space<hbm>> -> memref<1000000x32xf32, #tpu.memory_space<hbm>>
      tpu.enqueue_indirect_dma source(%dma_start3A_640 : memref<1000000x32xf32, #tpu.memory_space<hbm>>) target(%dma_start3A_635 : memref<128x32xf32, #tpu.memory_space<vmem>>) offsets(%dma_start3A_637 : memref<128xi32, #tpu.memory_space<vmem>>) semaphore(%arg11 : memref<!tpu.dma_semaphore, #tpu.memory_space<semaphore_mem>>)
      %dma_start3A_641 = arith.constant 768 : i32
      %dma_start3A_642 = arith.constant 0 : i32
      %dma_start3A_643 = tpu.memref_slice %arg7[%dma_start3A_641, %dma_start3A_642] : memref<1280x32xf32, #tpu.memory_space<vmem>> -> memref<128x32xf32, #tpu.memory_space<vmem>>
      %dma_start3A_644 = arith.constant 768 : i32
      %dma_start3A_645 = tpu.memref_slice %arg5[%dma_start3A_644] : memref<1280xi32, #tpu.memory_space<vmem>> -> memref<128xi32, #tpu.memory_space<vmem>>
      %dma_start3A_646 = arith.constant 0 : i32
      %dma_start3A_647 = arith.constant 0 : i32
      %dma_start3A_648 = tpu.memref_slice %arg2[%dma_start3A_646, %dma_start3A_647] : memref<1000000x32xf32, #tpu.memory_space<hbm>> -> memref<1000000x32xf32, #tpu.memory_space<hbm>>
      tpu.enqueue_indirect_dma source(%dma_start3A_648 : memref<1000000x32xf32, #tpu.memory_space<hbm>>) target(%dma_start3A_643 : memref<128x32xf32, #tpu.memory_space<vmem>>) offsets(%dma_start3A_645 : memref<128xi32, #tpu.memory_space<vmem>>) semaphore(%arg11 : memref<!tpu.dma_semaphore, #tpu.memory_space<semaphore_mem>>)
      %dma_start3A_649 = arith.constant 896 : i32
      %dma_start3A_650 = arith.constant 0 : i32
      %dma_start3A_651 = tpu.memref_slice %arg7[%dma_start3A_649, %dma_start3A_650] : memref<1280x32xf32, #tpu.memory_space<vmem>> -> memref<128x32xf32, #tpu.memory_space<vmem>>
      %dma_start3A_652 = arith.constant 896 : i32
      %dma_start3A_653 = tpu.memref_slice %arg5[%dma_start3A_652] : memref<1280xi32, #tpu.memory_space<vmem>> -> memref<128xi32, #tpu.memory_space<vmem>>
      %dma_start3A_654 = arith.constant 0 : i32
      %dma_start3A_655 = arith.constant 0 : i32
      %dma_start3A_656 = tpu.memref_slice %arg2[%dma_start3A_654, %dma_start3A_655] : memref<1000000x32xf32, #tpu.memory_space<hbm>> -> memref<1000000x32xf32, #tpu.memory_space<hbm>>
      tpu.enqueue_indirect_dma source(%dma_start3A_656 : memref<1000000x32xf32, #tpu.memory_space<hbm>>) target(%dma_start3A_651 : memref<128x32xf32, #tpu.memory_space<vmem>>) offsets(%dma_start3A_653 : memref<128xi32, #tpu.memory_space<vmem>>) semaphore(%arg11 : memref<!tpu.dma_semaphore, #tpu.memory_space<semaphore_mem>>)
      %dma_start3A_657 = arith.constant 1024 : i32
      %dma_start3A_658 = arith.constant 0 : i32
      %dma_start3A_659 = tpu.memref_slice %arg7[%dma_start3A_657, %dma_start3A_658] : memref<1280x32xf32, #tpu.memory_space<vmem>> -> memref<128x32xf32, #tpu.memory_space<vmem>>
      %dma_start3A_660 = arith.constant 1024 : i32
      %dma_start3A_661 = tpu.memref_slice %arg5[%dma_start3A_660] : memref<1280xi32, #tpu.memory_space<vmem>> -> memref<128xi32, #tpu.memory_space<vmem>>
      %dma_start3A_662 = arith.constant 0 : i32
      %dma_start3A_663 = arith.constant 0 : i32
      %dma_start3A_664 = tpu.memref_slice %arg2[%dma_start3A_662, %dma_start3A_663] : memref<1000000x32xf32, #tpu.memory_space<hbm>> -> memref<1000000x32xf32, #tpu.memory_space<hbm>>
      tpu.enqueue_indirect_dma source(%dma_start3A_664 : memref<1000000x32xf32, #tpu.memory_space<hbm>>) target(%dma_start3A_659 : memref<128x32xf32, #tpu.memory_space<vmem>>) offsets(%dma_start3A_661 : memref<128xi32, #tpu.memory_space<vmem>>) semaphore(%arg11 : memref<!tpu.dma_semaphore, #tpu.memory_space<semaphore_mem>>)
      %dma_start3A_665 = arith.constant 1152 : i32
      %dma_start3A_666 = arith.constant 0 : i32
      %dma_start3A_667 = tpu.memref_slice %arg7[%dma_start3A_665, %dma_start3A_666] : memref<1280x32xf32, #tpu.memory_space<vmem>> -> memref<128x32xf32, #tpu.memory_space<vmem>>
      %dma_start3A_668 = arith.constant 1152 : i32
      %dma_start3A_669 = tpu.memref_slice %arg5[%dma_start3A_668] : memref<1280xi32, #tpu.memory_space<vmem>> -> memref<128xi32, #tpu.memory_space<vmem>>
      %dma_start3A_670 = arith.constant 0 : i32
      %dma_start3A_671 = arith.constant 0 : i32
      %dma_start3A_672 = tpu.memref_slice %arg2[%dma_start3A_670, %dma_start3A_671] : memref<1000000x32xf32, #tpu.memory_space<hbm>> -> memref<1000000x32xf32, #tpu.memory_space<hbm>>
      tpu.enqueue_indirect_dma source(%dma_start3A_672 : memref<1000000x32xf32, #tpu.memory_space<hbm>>) target(%dma_start3A_667 : memref<128x32xf32, #tpu.memory_space<vmem>>) offsets(%dma_start3A_669 : memref<128xi32, #tpu.memory_space<vmem>>) semaphore(%arg11 : memref<!tpu.dma_semaphore, #tpu.memory_space<semaphore_mem>>)
      %add3A_673 = arith.constant 1 : i32
      %add3A_674 = arith.addi %mul3A_240, %add3A_673 : i32
      %mul3A_675 = arith.constant 1280 : i32
      %mul3A_676 = arith.muli %add3A_674, %mul3A_675 : i32
      %add3A_677 = arith.addi %mul3A_2, %mul3A_676 : i32
      %dma_start3A_678 = arith.constant 0 : i32
      %dma_start3A_679 = tpu.memref_slice %arg4[%add3A_677, %dma_start3A_678] : memref<819200x32xf32, #tpu.memory_space<hbm>> -> memref<1280x32xf32, #tpu.memory_space<hbm>>
      %dma_start3A_680 = arith.constant 0 : i32
      %dma_start3A_681 = tpu.memref_slice %arg4[%add3A_677, %dma_start3A_680] : memref<819200x32xf32, #tpu.memory_space<hbm>> -> memref<1280x32xf32, #tpu.memory_space<hbm>>
      tpu.enqueue_dma source(%arg8 : memref<1280x32xf32, #tpu.memory_space<vmem>>) target(%dma_start3A_681 : memref<1280x32xf32, #tpu.memory_space<hbm>>) target_semaphore(%arg14 : memref<!tpu.dma_semaphore, #tpu.memory_space<semaphore_mem>>)
      %add3A_682 = arith.constant 3 : i32
      %add3A_683 = arith.addi %mul3A_240, %add3A_682 : i32
      %min3A_684 = arith.constant 19 : i32
      %min3A_685 = arith.minsi %add3A_683, %min3A_684 : i32
      %mul3A_686 = arith.constant 1280 : i32
      %mul3A_687 = arith.muli %min3A_685, %mul3A_686 : i32
      %add3A_688 = arith.addi %mul3A_2, %mul3A_687 : i32
      %dma_start3A_689 = tpu.memref_slice %arg3[%add3A_688] : memref<819200xi32, #tpu.memory_space<hbm>> -> memref<1280xi32, #tpu.memory_space<hbm>>
      %dma_start3A_690 = tpu.memref_slice %arg3[%add3A_688] : memref<819200xi32, #tpu.memory_space<hbm>> -> memref<1280xi32, #tpu.memory_space<hbm>>
      tpu.enqueue_dma source(%dma_start3A_690 : memref<1280xi32, #tpu.memory_space<hbm>>) target(%arg6 : memref<1280xi32, #tpu.memory_space<vmem>>) target_semaphore(%arg10 : memref<!tpu.dma_semaphore, #tpu.memory_space<semaphore_mem>>)
    }
    %scan3A_103 = arith.constant 10 : i32
    %dma_wait3A_104 = arith.constant 0 : i32
    %dma_wait3A_105 = arith.constant 0 : i32
    %dma_wait3A_106 = tpu.memref_slice %arg7[%dma_wait3A_104, %dma_wait3A_105] : memref<1280x32xf32, #tpu.memory_space<vmem>> -> memref<128x32xf32, #tpu.memory_space<vmem>>
    %dma_wait3A_107 = arith.constant 0 : i32
    %dma_wait3A_108 = arith.constant 0 : i32
    %dma_wait3A_109 = tpu.memref_slice %arg2[%dma_wait3A_107, %dma_wait3A_108] : memref<1000000x32xf32, #tpu.memory_space<hbm>> -> memref<128x32xf32, #tpu.memory_space<hbm>>
    %dma_wait3A_110 = arith.constant 0 : i32
    %dma_wait3A_111 = arith.constant 0 : i32
    %dma_wait3A_112 = tpu.memref_slice %arg7[%dma_wait3A_110, %dma_wait3A_111] : memref<1280x32xf32, #tpu.memory_space<vmem>> -> memref<128x32xf32, #tpu.memory_space<vmem>>
    %dma_wait3A_113 = arith.constant 0 : i32
    %dma_wait3A_114 = arith.constant 0 : i32
    %dma_wait3A_115 = tpu.memref_slice %arg2[%dma_wait3A_113, %dma_wait3A_114] : memref<1000000x32xf32, #tpu.memory_space<hbm>> -> memref<128x32xf32, #tpu.memory_space<hbm>>
    tpu.wait_dma2 semaphore(%arg11 : memref<!tpu.dma_semaphore, #tpu.memory_space<semaphore_mem>>) src(%dma_wait3A_115 : memref<128x32xf32, #tpu.memory_space<hbm>>) dst(%dma_wait3A_112 : memref<128x32xf32, #tpu.memory_space<vmem>>)
    %dma_wait3A_116 = arith.constant 128 : i32
    %dma_wait3A_117 = arith.constant 0 : i32
    %dma_wait3A_118 = tpu.memref_slice %arg7[%dma_wait3A_116, %dma_wait3A_117] : memref<1280x32xf32, #tpu.memory_space<vmem>> -> memref<128x32xf32, #tpu.memory_space<vmem>>
    %dma_wait3A_119 = arith.constant 0 : i32
    %dma_wait3A_120 = arith.constant 0 : i32
    %dma_wait3A_121 = tpu.memref_slice %arg2[%dma_wait3A_119, %dma_wait3A_120] : memref<1000000x32xf32, #tpu.memory_space<hbm>> -> memref<128x32xf32, #tpu.memory_space<hbm>>
    %dma_wait3A_122 = arith.constant 128 : i32
    %dma_wait3A_123 = arith.constant 0 : i32
    %dma_wait3A_124 = tpu.memref_slice %arg7[%dma_wait3A_122, %dma_wait3A_123] : memref<1280x32xf32, #tpu.memory_space<vmem>> -> memref<128x32xf32, #tpu.memory_space<vmem>>
    %dma_wait3A_125 = arith.constant 0 : i32
    %dma_wait3A_126 = arith.constant 0 : i32
    %dma_wait3A_127 = tpu.memref_slice %arg2[%dma_wait3A_125, %dma_wait3A_126] : memref<1000000x32xf32, #tpu.memory_space<hbm>> -> memref<128x32xf32, #tpu.memory_space<hbm>>
    tpu.wait_dma2 semaphore(%arg11 : memref<!tpu.dma_semaphore, #tpu.memory_space<semaphore_mem>>) src(%dma_wait3A_127 : memref<128x32xf32, #tpu.memory_space<hbm>>) dst(%dma_wait3A_124 : memref<128x32xf32, #tpu.memory_space<vmem>>)
    %dma_wait3A_128 = arith.constant 256 : i32
    %dma_wait3A_129 = arith.constant 0 : i32
    %dma_wait3A_130 = tpu.memref_slice %arg7[%dma_wait3A_128, %dma_wait3A_129] : memref<1280x32xf32, #tpu.memory_space<vmem>> -> memref<128x32xf32, #tpu.memory_space<vmem>>
    %dma_wait3A_131 = arith.constant 0 : i32
    %dma_wait3A_132 = arith.constant 0 : i32
    %dma_wait3A_133 = tpu.memref_slice %arg2[%dma_wait3A_131, %dma_wait3A_132] : memref<1000000x32xf32, #tpu.memory_space<hbm>> -> memref<128x32xf32, #tpu.memory_space<hbm>>
    %dma_wait3A_134 = arith.constant 256 : i32
    %dma_wait3A_135 = arith.constant 0 : i32
    %dma_wait3A_136 = tpu.memref_slice %arg7[%dma_wait3A_134, %dma_wait3A_135] : memref<1280x32xf32, #tpu.memory_space<vmem>> -> memref<128x32xf32, #tpu.memory_space<vmem>>
    %dma_wait3A_137 = arith.constant 0 : i32
    %dma_wait3A_138 = arith.constant 0 : i32
    %dma_wait3A_139 = tpu.memref_slice %arg2[%dma_wait3A_137, %dma_wait3A_138] : memref<1000000x32xf32, #tpu.memory_space<hbm>> -> memref<128x32xf32, #tpu.memory_space<hbm>>
    tpu.wait_dma2 semaphore(%arg11 : memref<!tpu.dma_semaphore, #tpu.memory_space<semaphore_mem>>) src(%dma_wait3A_139 : memref<128x32xf32, #tpu.memory_space<hbm>>) dst(%dma_wait3A_136 : memref<128x32xf32, #tpu.memory_space<vmem>>)
    %dma_wait3A_140 = arith.constant 384 : i32
    %dma_wait3A_141 = arith.constant 0 : i32
    %dma_wait3A_142 = tpu.memref_slice %arg7[%dma_wait3A_140, %dma_wait3A_141] : memref<1280x32xf32, #tpu.memory_space<vmem>> -> memref<128x32xf32, #tpu.memory_space<vmem>>
    %dma_wait3A_143 = arith.constant 0 : i32
    %dma_wait3A_144 = arith.constant 0 : i32
    %dma_wait3A_145 = tpu.memref_slice %arg2[%dma_wait3A_143, %dma_wait3A_144] : memref<1000000x32xf32, #tpu.memory_space<hbm>> -> memref<128x32xf32, #tpu.memory_space<hbm>>
    %dma_wait3A_146 = arith.constant 384 : i32
    %dma_wait3A_147 = arith.constant 0 : i32
    %dma_wait3A_148 = tpu.memref_slice %arg7[%dma_wait3A_146, %dma_wait3A_147] : memref<1280x32xf32, #tpu.memory_space<vmem>> -> memref<128x32xf32, #tpu.memory_space<vmem>>
    %dma_wait3A_149 = arith.constant 0 : i32
    %dma_wait3A_150 = arith.constant 0 : i32
    %dma_wait3A_151 = tpu.memref_slice %arg2[%dma_wait3A_149, %dma_wait3A_150] : memref<1000000x32xf32, #tpu.memory_space<hbm>> -> memref<128x32xf32, #tpu.memory_space<hbm>>
    tpu.wait_dma2 semaphore(%arg11 : memref<!tpu.dma_semaphore, #tpu.memory_space<semaphore_mem>>) src(%dma_wait3A_151 : memref<128x32xf32, #tpu.memory_space<hbm>>) dst(%dma_wait3A_148 : memref<128x32xf32, #tpu.memory_space<vmem>>)
    %dma_wait3A_152 = arith.constant 512 : i32
    %dma_wait3A_153 = arith.constant 0 : i32
    %dma_wait3A_154 = tpu.memref_slice %arg7[%dma_wait3A_152, %dma_wait3A_153] : memref<1280x32xf32, #tpu.memory_space<vmem>> -> memref<128x32xf32, #tpu.memory_space<vmem>>
    %dma_wait3A_155 = arith.constant 0 : i32
    %dma_wait3A_156 = arith.constant 0 : i32
    %dma_wait3A_157 = tpu.memref_slice %arg2[%dma_wait3A_155, %dma_wait3A_156] : memref<1000000x32xf32, #tpu.memory_space<hbm>> -> memref<128x32xf32, #tpu.memory_space<hbm>>
    %dma_wait3A_158 = arith.constant 512 : i32
    %dma_wait3A_159 = arith.constant 0 : i32
    %dma_wait3A_160 = tpu.memref_slice %arg7[%dma_wait3A_158, %dma_wait3A_159] : memref<1280x32xf32, #tpu.memory_space<vmem>> -> memref<128x32xf32, #tpu.memory_space<vmem>>
    %dma_wait3A_161 = arith.constant 0 : i32
    %dma_wait3A_162 = arith.constant 0 : i32
    %dma_wait3A_163 = tpu.memref_slice %arg2[%dma_wait3A_161, %dma_wait3A_162] : memref<1000000x32xf32, #tpu.memory_space<hbm>> -> memref<128x32xf32, #tpu.memory_space<hbm>>
    tpu.wait_dma2 semaphore(%arg11 : memref<!tpu.dma_semaphore, #tpu.memory_space<semaphore_mem>>) src(%dma_wait3A_163 : memref<128x32xf32, #tpu.memory_space<hbm>>) dst(%dma_wait3A_160 : memref<128x32xf32, #tpu.memory_space<vmem>>)
    %dma_wait3A_164 = arith.constant 640 : i32
    %dma_wait3A_165 = arith.constant 0 : i32
    %dma_wait3A_166 = tpu.memref_slice %arg7[%dma_wait3A_164, %dma_wait3A_165] : memref<1280x32xf32, #tpu.memory_space<vmem>> -> memref<128x32xf32, #tpu.memory_space<vmem>>
    %dma_wait3A_167 = arith.constant 0 : i32
    %dma_wait3A_168 = arith.constant 0 : i32
    %dma_wait3A_169 = tpu.memref_slice %arg2[%dma_wait3A_167, %dma_wait3A_168] : memref<1000000x32xf32, #tpu.memory_space<hbm>> -> memref<128x32xf32, #tpu.memory_space<hbm>>
    %dma_wait3A_170 = arith.constant 640 : i32
    %dma_wait3A_171 = arith.constant 0 : i32
    %dma_wait3A_172 = tpu.memref_slice %arg7[%dma_wait3A_170, %dma_wait3A_171] : memref<1280x32xf32, #tpu.memory_space<vmem>> -> memref<128x32xf32, #tpu.memory_space<vmem>>
    %dma_wait3A_173 = arith.constant 0 : i32
    %dma_wait3A_174 = arith.constant 0 : i32
    %dma_wait3A_175 = tpu.memref_slice %arg2[%dma_wait3A_173, %dma_wait3A_174] : memref<1000000x32xf32, #tpu.memory_space<hbm>> -> memref<128x32xf32, #tpu.memory_space<hbm>>
    tpu.wait_dma2 semaphore(%arg11 : memref<!tpu.dma_semaphore, #tpu.memory_space<semaphore_mem>>) src(%dma_wait3A_175 : memref<128x32xf32, #tpu.memory_space<hbm>>) dst(%dma_wait3A_172 : memref<128x32xf32, #tpu.memory_space<vmem>>)
    %dma_wait3A_176 = arith.constant 768 : i32
    %dma_wait3A_177 = arith.constant 0 : i32
    %dma_wait3A_178 = tpu.memref_slice %arg7[%dma_wait3A_176, %dma_wait3A_177] : memref<1280x32xf32, #tpu.memory_space<vmem>> -> memref<128x32xf32, #tpu.memory_space<vmem>>
    %dma_wait3A_179 = arith.constant 0 : i32
    %dma_wait3A_180 = arith.constant 0 : i32
    %dma_wait3A_181 = tpu.memref_slice %arg2[%dma_wait3A_179, %dma_wait3A_180] : memref<1000000x32xf32, #tpu.memory_space<hbm>> -> memref<128x32xf32, #tpu.memory_space<hbm>>
    %dma_wait3A_182 = arith.constant 768 : i32
    %dma_wait3A_183 = arith.constant 0 : i32
    %dma_wait3A_184 = tpu.memref_slice %arg7[%dma_wait3A_182, %dma_wait3A_183] : memref<1280x32xf32, #tpu.memory_space<vmem>> -> memref<128x32xf32, #tpu.memory_space<vmem>>
    %dma_wait3A_185 = arith.constant 0 : i32
    %dma_wait3A_186 = arith.constant 0 : i32
    %dma_wait3A_187 = tpu.memref_slice %arg2[%dma_wait3A_185, %dma_wait3A_186] : memref<1000000x32xf32, #tpu.memory_space<hbm>> -> memref<128x32xf32, #tpu.memory_space<hbm>>
    tpu.wait_dma2 semaphore(%arg11 : memref<!tpu.dma_semaphore, #tpu.memory_space<semaphore_mem>>) src(%dma_wait3A_187 : memref<128x32xf32, #tpu.memory_space<hbm>>) dst(%dma_wait3A_184 : memref<128x32xf32, #tpu.memory_space<vmem>>)
    %dma_wait3A_188 = arith.constant 896 : i32
    %dma_wait3A_189 = arith.constant 0 : i32
    %dma_wait3A_190 = tpu.memref_slice %arg7[%dma_wait3A_188, %dma_wait3A_189] : memref<1280x32xf32, #tpu.memory_space<vmem>> -> memref<128x32xf32, #tpu.memory_space<vmem>>
    %dma_wait3A_191 = arith.constant 0 : i32
    %dma_wait3A_192 = arith.constant 0 : i32
    %dma_wait3A_193 = tpu.memref_slice %arg2[%dma_wait3A_191, %dma_wait3A_192] : memref<1000000x32xf32, #tpu.memory_space<hbm>> -> memref<128x32xf32, #tpu.memory_space<hbm>>
    %dma_wait3A_194 = arith.constant 896 : i32
    %dma_wait3A_195 = arith.constant 0 : i32
    %dma_wait3A_196 = tpu.memref_slice %arg7[%dma_wait3A_194, %dma_wait3A_195] : memref<1280x32xf32, #tpu.memory_space<vmem>> -> memref<128x32xf32, #tpu.memory_space<vmem>>
    %dma_wait3A_197 = arith.constant 0 : i32
    %dma_wait3A_198 = arith.constant 0 : i32
    %dma_wait3A_199 = tpu.memref_slice %arg2[%dma_wait3A_197, %dma_wait3A_198] : memref<1000000x32xf32, #tpu.memory_space<hbm>> -> memref<128x32xf32, #tpu.memory_space<hbm>>
    tpu.wait_dma2 semaphore(%arg11 : memref<!tpu.dma_semaphore, #tpu.memory_space<semaphore_mem>>) src(%dma_wait3A_199 : memref<128x32xf32, #tpu.memory_space<hbm>>) dst(%dma_wait3A_196 : memref<128x32xf32, #tpu.memory_space<vmem>>)
    %dma_wait3A_200 = arith.constant 1024 : i32
    %dma_wait3A_201 = arith.constant 0 : i32
    %dma_wait3A_202 = tpu.memref_slice %arg7[%dma_wait3A_200, %dma_wait3A_201] : memref<1280x32xf32, #tpu.memory_space<vmem>> -> memref<128x32xf32, #tpu.memory_space<vmem>>
    %dma_wait3A_203 = arith.constant 0 : i32
    %dma_wait3A_204 = arith.constant 0 : i32
    %dma_wait3A_205 = tpu.memref_slice %arg2[%dma_wait3A_203, %dma_wait3A_204] : memref<1000000x32xf32, #tpu.memory_space<hbm>> -> memref<128x32xf32, #tpu.memory_space<hbm>>
    %dma_wait3A_206 = arith.constant 1024 : i32
    %dma_wait3A_207 = arith.constant 0 : i32
    %dma_wait3A_208 = tpu.memref_slice %arg7[%dma_wait3A_206, %dma_wait3A_207] : memref<1280x32xf32, #tpu.memory_space<vmem>> -> memref<128x32xf32, #tpu.memory_space<vmem>>
    %dma_wait3A_209 = arith.constant 0 : i32
    %dma_wait3A_210 = arith.constant 0 : i32
    %dma_wait3A_211 = tpu.memref_slice %arg2[%dma_wait3A_209, %dma_wait3A_210] : memref<1000000x32xf32, #tpu.memory_space<hbm>> -> memref<128x32xf32, #tpu.memory_space<hbm>>
    tpu.wait_dma2 semaphore(%arg11 : memref<!tpu.dma_semaphore, #tpu.memory_space<semaphore_mem>>) src(%dma_wait3A_211 : memref<128x32xf32, #tpu.memory_space<hbm>>) dst(%dma_wait3A_208 : memref<128x32xf32, #tpu.memory_space<vmem>>)
    %dma_wait3A_212 = arith.constant 1152 : i32
    %dma_wait3A_213 = arith.constant 0 : i32
    %dma_wait3A_214 = tpu.memref_slice %arg7[%dma_wait3A_212, %dma_wait3A_213] : memref<1280x32xf32, #tpu.memory_space<vmem>> -> memref<128x32xf32, #tpu.memory_space<vmem>>
    %dma_wait3A_215 = arith.constant 0 : i32
    %dma_wait3A_216 = arith.constant 0 : i32
    %dma_wait3A_217 = tpu.memref_slice %arg2[%dma_wait3A_215, %dma_wait3A_216] : memref<1000000x32xf32, #tpu.memory_space<hbm>> -> memref<128x32xf32, #tpu.memory_space<hbm>>
    %dma_wait3A_218 = arith.constant 1152 : i32
    %dma_wait3A_219 = arith.constant 0 : i32
    %dma_wait3A_220 = tpu.memref_slice %arg7[%dma_wait3A_218, %dma_wait3A_219] : memref<1280x32xf32, #tpu.memory_space<vmem>> -> memref<128x32xf32, #tpu.memory_space<vmem>>
    %dma_wait3A_221 = arith.constant 0 : i32
    %dma_wait3A_222 = arith.constant 0 : i32
    %dma_wait3A_223 = tpu.memref_slice %arg2[%dma_wait3A_221, %dma_wait3A_222] : memref<1000000x32xf32, #tpu.memory_space<hbm>> -> memref<128x32xf32, #tpu.memory_space<hbm>>
    tpu.wait_dma2 semaphore(%arg11 : memref<!tpu.dma_semaphore, #tpu.memory_space<semaphore_mem>>) src(%dma_wait3A_223 : memref<128x32xf32, #tpu.memory_space<hbm>>) dst(%dma_wait3A_220 : memref<128x32xf32, #tpu.memory_space<vmem>>)
    %dma_wait3A_224 = arith.constant 0 : i32
    %dma_wait3A_225 = tpu.memref_slice %arg3[%dma_wait3A_224] : memref<819200xi32, #tpu.memory_space<hbm>> -> memref<1280xi32, #tpu.memory_space<hbm>>
    %dma_wait3A_226 = arith.constant 0 : i32
    %dma_wait3A_227 = tpu.memref_slice %arg3[%dma_wait3A_226] : memref<819200xi32, #tpu.memory_space<hbm>> -> memref<1280xi32, #tpu.memory_space<hbm>>
    tpu.wait_dma2 semaphore(%arg10 : memref<!tpu.dma_semaphore, #tpu.memory_space<semaphore_mem>>) src(%dma_wait3A_227 : memref<1280xi32, #tpu.memory_space<hbm>>) dst(%arg6 : memref<1280xi32, #tpu.memory_space<vmem>>)
    %dma_wait3A_228 = arith.constant 0 : i32
    %dma_wait3A_229 = arith.constant 0 : i32
    %dma_wait3A_230 = tpu.memref_slice %arg4[%dma_wait3A_228, %dma_wait3A_229] : memref<819200x32xf32, #tpu.memory_space<hbm>> -> memref<1280x32xf32, #tpu.memory_space<hbm>>
    %dma_wait3A_231 = arith.constant 0 : i32
    %dma_wait3A_232 = arith.constant 0 : i32
    %dma_wait3A_233 = tpu.memref_slice %arg4[%dma_wait3A_231, %dma_wait3A_232] : memref<819200x32xf32, #tpu.memory_space<hbm>> -> memref<1280x32xf32, #tpu.memory_space<hbm>>
    tpu.wait_dma2 semaphore(%arg14 : memref<!tpu.dma_semaphore, #tpu.memory_space<semaphore_mem>>) src(%arg8 : memref<1280x32xf32, #tpu.memory_space<vmem>>) dst(%dma_wait3A_233 : memref<1280x32xf32, #tpu.memory_space<hbm>>)
    return
  }
}

</mosaic_0001>

<sc_bundles>
// kernel: kernel.3.cloned.1.call-start
scs
__scs_entry_jumppad:
0x0: {  	(pc) =	sbr.rel $0x88, $3  }
0x1: {  	(tag) =	ssettag $0x0;
	lr =	simm.s32 $0x1  }
0x2: {  	[smem:$0x3F9F] =	sst lr;
	_ =	strace $0xD0000000  }
0x3: {  	_ = 	snop  }
0x4: {  	_ = 	snop  }
0x5: {  	_ = 	snop  }
0x6: {  	_ = 	snop  }
0x7: {  	_ = 	snop  }
__scs_overlays_trampoline_lowered:
0x8: {  	[smem:$0x3FAE] =	sst s0  }
0x9: {  	[smem:$0x3FAF] =	sst s1  }
0xa: {  	[smem:$0x3FB0] =	sst s2  }
0xb: {  	[smem:$0x3FB1] =	sst s3  }
0xc: {  	[smem:$0x3FB2] =	sst s4  }
0xd: {  	[smem:$0x3FB3] =	sst s5  }
0xe: {  	[smem:$0x3FB4] =	sst s6  }
0xf: {  	[smem:$0x3FB5] =	sst s7  }
0x10: {  	[smem:$0x3FB6] =	sst s8  }
0x11: {  	[smem:$0x3FB7] =	sst s9;
	s0 =	simm.s32 @!p0 $0x0  }
0x12: {  	s1 =	sld [smem:$0x3F9D];
	s0 =	simm.s32 @p0 $0x1  }
0x13: {  	[smem:$0x3FB8] =	sst s0;
	s0 =	simm.s32 @!p1 $0x0  }
0x14: {  	s2 =	sld [smem:$0x3F9C];
	s0 =	simm.s32 @p1 $0x1  }
0x15: {  	[smem:$0x3FB9] =	sst s0;
	s0 =	simm.s32 @!p2 $0x0  }
0x16: {  	s3 =	sld [smem:$0x3FDB];
	s0 =	simm.s32 @p2 $0x1  }
0x17: {  	s4 =	simm.s32 $0x1BF5;
	[smem:$0x3FBB] =	sst s0  }
0x18: {  	s0 =	sld [smem:$0x3F9E];
	_ =	swait.ge [sflag:s4], $0x0  }
0x19: {  	s7 =	sld [smem:$0x3F9F]  }
0x1a: {  	s8 =	sadd.s32 $0xFFFFE003, lr  }
0x1b: {  	s9 =	sadd.s32 $0xFFFFFEF7, lr;
	s5 =	simm.s32 $0xFFFFFFFF;
	p2 =	slt.u32 s8, $0xFFFFF086  }
0x1c: {  	p1 =	slt.u32 s9, $0xF7A;
	s5 =	simm.s32 @!p2 $0x0  }
0x1d: {  	s5 =	simm.s32 @p1 $0x1;
	p0 =	seq.s32 s7, s2  }
0x1e: {  	s7 =	smul.u32 @!p0 $0xF7A, s2;
	p2 =	seq.s32 @!p0 s5, $0x0  }
0x1f: {  	s9 =	smul.u32 $0xF7A, s1;
	s8 =	simm.s32 @!p0 $0x1BF5;
	p2 =	por !p2, p0  }
0x20: {  	[sflag:s8] =	ssyncset.s32 @!p0 $0xFFFFF086;
	s6 =	sadd.s32 @!p0 s3, s7;
	s7 =	simm.s32 @!p0 $0x108  }
0x21: {  	s3 =	sadd.s32 s3, s9;
	s6 =	sadd.s32 @!p0 $0x88, s6;
	s7 =	simm.s32 @p2 $0x1082  }
0x22: {  	[simem:s7], [sflag:s8] =	dma.local @!p0 [hbm:s6], $0xF7A  }
0x23: {  	s9 =	sor.u32 $0xD0000000, s2;
	s6 =	simm.s32 $0x108;
	_ =	swait.ge @!p0 [sflag:s8], $0x0  }
0x24: {  	s3 =	sadd.s32 $0x88, s3;
	s6 =	simm.s32 @!p1 $0x1082;
	[sflag:s4] =	ssyncset.s32 $0xFFFFF086  }
0x25: {  	[simem:s6], [sflag:s4] =	dma.local [hbm:s3], $0xF7A  }
0x26: {  	[smem:$0x3F9F] =	sst s1;
	(tag) =	ssettag s2;
	_ =	strace s9  }
0x27: {  	s1 =	sld [smem:$0x3FAF]  }
0x28: {  	s2 =	sld [smem:$0x3FB0]  }
0x29: {  	s4 =	sld [smem:$0x3FB2]  }
0x2a: {  	p0 =	seq.s32 s5, $0x0;
	s5 =	sld [smem:$0x3FB3]  }
0x2b: {  	s6 =	sld [smem:$0x3FB4]  }
0x2c: {  	s7 =	sld [smem:$0x3FB5]  }
0x2d: {  	s3 =	simm.s32 $0x108;
	s8 =	sld [smem:$0x3FB6]  }
0x2e: {  	s3 =	simm.s32 @!p0 $0x1082;
	s9 =	sld [smem:$0x3FB7]  }
0x2f: {  	lr =	sadd.s32 s0, s3;
	s0 =	sld [smem:$0x3FAE]  }
0x30: {  	s3 =	sld [smem:$0x3FB1]  }
0x31: {  	[smem:$0x3FBA] =	sst s10  }
0x32: {  	s10 =	sld [smem:$0x3FB8];
	_ =	sdelay $0x3  }
0x33: {  	p0 =	seq.s32 s10, $0x1;
	s10 =	sld [smem:$0x3FBA];
	_ =	sdelay $0x3  }
0x34: {  	[smem:$0x3FBA] =	sst s10  }
0x35: {  	s10 =	sld [smem:$0x3FB9];
	_ =	sdelay $0x3  }
0x36: {  	p1 =	seq.s32 s10, $0x1;
	s10 =	sld [smem:$0x3FBA];
	_ =	sdelay $0x3  }
0x37: {  	[smem:$0x3FBA] =	sst s10  }
0x38: {  	s10 =	sld [smem:$0x3FBB]  }
0x39: {  	_ = 	snop;
	(pc) =	sbr.ind lr, $3  }
0x3a: {  	_ = 	snop  }
0x3b: {  	_ = 	snop  }
0x3c: {  	p2 =	seq.s32 s10, $0x1;
	s10 =	sld [smem:$0x3FBA]  }
0x3d: {  	_ =	shalt  }
0x3e: {  	_ =	shalt  }
0x3f: {  	_ =	shalt  }
0x40: {  	_ =	shalt  }
0x41: {  	_ =	shalt  }
0x42: {  	_ =	shalt  }
0x43: {  	_ =	shalt  }
0x44: {  	_ =	shalt  }
0x45: {  	_ =	shalt  }
0x46: {  	_ =	shalt  }
0x47: {  	_ =	shalt  }
0x48: {  	_ =	shalt  }
0x49: {  	_ =	shalt  }
0x4a: {  	_ =	shalt  }
0x4b: {  	_ =	shalt  }
0x4c: {  	_ =	shalt  }
0x4d: {  	_ =	shalt  }
0x4e: {  	_ =	shalt  }
0x4f: {  	_ =	shalt  }
0x50: {  	_ =	shalt  }
0x51: {  	_ =	shalt  }
0x52: {  	_ =	shalt  }
0x53: {  	_ =	shalt  }
0x54: {  	_ =	shalt  }
0x55: {  	_ =	shalt  }
0x56: {  	_ =	shalt  }
0x57: {  	_ =	shalt  }
0x58: {  	_ =	shalt  }
0x59: {  	_ =	shalt  }
0x5a: {  	_ =	shalt  }
0x5b: {  	_ =	shalt  }
0x5c: {  	_ =	shalt  }
0x5d: {  	_ =	shalt  }
0x5e: {  	_ =	shalt  }
0x5f: {  	_ =	shalt  }
0x60: {  	_ =	shalt  }
0x61: {  	_ =	shalt  }
0x62: {  	_ =	shalt  }
0x63: {  	_ =	shalt  }
0x64: {  	_ =	shalt  }
0x65: {  	_ =	shalt  }
0x66: {  	_ =	shalt  }
0x67: {  	_ =	shalt  }
0x68: {  	_ =	shalt  }
0x69: {  	_ =	shalt  }
0x6a: {  	_ =	shalt  }
0x6b: {  	_ =	shalt  }
0x6c: {  	_ =	shalt  }
0x6d: {  	_ =	shalt  }
0x6e: {  	_ =	shalt  }
0x6f: {  	_ =	shalt  }
0x70: {  	_ =	shalt  }
0x71: {  	_ =	shalt  }
0x72: {  	_ =	shalt  }
0x73: {  	_ =	shalt  }
0x74: {  	_ =	shalt  }
0x75: {  	_ =	shalt  }
0x76: {  	_ =	shalt  }
0x77: {  	_ =	shalt  }
0x78: {  	_ =	shalt  }
0x79: {  	_ =	shalt  }
0x7a: {  	_ =	shalt  }
0x7b: {  	_ =	shalt  }
0x7c: {  	_ =	shalt  }
0x7d: {  	_ =	shalt  }
0x7e: {  	_ =	shalt  }
0x7f: {  	_ =	shalt  }
0x80: {  	_ =	shalt  }
0x81: {  	_ =	shalt  }
0x82: {  	_ =	shalt  }
0x83: {  	_ =	shalt  }
0x84: {  	_ =	shalt  }
0x85: {  	_ =	shalt  }
0x86: {  	_ =	shalt  }
0x87: {  	_ =	shalt  }
.Lfunc_end0:
.L_simem_size_0:
called_computation.1_lowered:
.L_overlay_start_0:
0x88: {  	s2 =	sld [smem:$0x3FD9]  }
0x89: {  	s3 =	sld [smem:$0x3FFE];
	_ =	sdelay $0x1  }
0x8a: {  	s1 =	srdreg.scid  }
0x8b: {  	s0 =	sand.u32 $0x1, s1  }
0x8c: {  	s17 =	sshll.u32 s0, $0xA;
	s2 =	sadd.s32 s3, s2  }
0x8d: {  	s2 =	sadd.s32 s2, s17  }
0x8e: {  	[smem:$0x3FC6] =	sst s2  }
0x8f: {  	_ = 	snop  }
0x90: {  	s2 =	sld [smem:$0x3FD0];
	(tm) =	ssettm $0x1  }
0x91: {  	s18 =	sld [smem:$0x3FFB];
	_ =	sdelay $0x3  }
0x92: {  	_ =	strace s18  }
0x93: {  	s3 =	sld [smem:$0x3FFC];
	_ =	sdelay $0x3  }
0x94: {  	_ =	strace s3  }
0x95: {  	s3 =	sld [smem:$0x3FFD];
	_ =	sdelay $0x3  }
0x96: {  	_ =	strace s3  }
0x97: {  	_ =	strace $0x8FFFFFFF  }
0x98: {  	s19 =	sld [smem:$0x3FDB];
	_ =	sdelay $0x1  }
0x99: {  	s4 =	simm.s32 $_scs_section_size  }
0x9a: {  	s5 =	simm.s32 $_size__tile_overlayer_lowered;
	s6 =	simm.s32 $_tile_overlayer_lowered  }
0x9b: {  	s22 =	simm.s32 $0x1BFF;
	s21 =	sshll.u32 s6, $0x1;
	s3 =	sadd.s32 s4, s19  }
0x9c: {  	s7 =	simm.s32 $0x0;
	s20 =	sshll.u32 s5, $0x1;
	s5 =	sadd.s32 s21, s3  }
0x9d: {  	[timem:s7], [sflag:s22] =	dma.local [hbm:s5], s20  }
0x9e: {  	_ =	swait.ge [sflag:s22], s20  }
0x9f: {  	s4 =	ssub.s32 $0x0, s20;
	[sflag:s22] =	ssyncset.done $0x0  }
0xa0: {  	[sflag:s22] =	ssyncadd.s32 s4;
	_ =	sdelay $0x1  }
0xa1: {  	s23 =	simm.s32 $0x1B8B  }
0xa2: {  	_ =	swait.ge [sflag:s23], $0x1  }
0xa3: {  	[sflag:s23] =	ssyncset.done $0x0  }
0xa4: {  	s25 =	simm.s32 $0x1B8E;
	s24 =	sld [smem:$0x3FFE];
	[sflag:s23] =	ssyncadd.s32 $0xFFFFFFFF  }
0xa5: {  	s26 =	simm.s32 $execute0_lowered;
	[smem:$0x3FD2] =	sst s25  }
0xa6: {  	s5 =	sshll.u32 s26, $0x1;
	_ =	strace $0x80000046;
	[dreg:$0x1] =	wrdreg $0xFFFFFFFF  }
0xa7: {  	s28 =	simm.s32 $_size_execute0_lowered;
	s3 =	sadd.s32 s3, s5;
	[dreg:$0x0] =	wrdreg $0x0  }
0xa8: {  	s5 =	sshll.u32 s28, $0x1;
	[dreg:$0x2] =	wrdreg s3  }
0xa9: {  	[dreg:$0x3] =	wrdreg s5  }
0xaa: {  	[dreg:$0x4] =	wrdreg $0xC0  }
0xab: {  	_ =	task [dreg:s7], $0x5FFFF  }
0xac: {  	[dreg:$0x1] =	wrdreg $0xFFFFFFFF  }
0xad: {  	[dreg:$0x0] =	wrdreg $0x60  }
0xae: {  	[dreg:$0x2] =	wrdreg s24  }
0xaf: {  	[dreg:$0x3] =	wrdreg s2  }
0xb0: {  	[dreg:$0x4] =	wrdreg $0x9  }
0xb1: {  	_ =	task.clear_ibuf [dreg:s7], $0x5FFFF;
	_ =	strace $0x90000046  }
0xb2: {  	s29 =	simm.s32 $0x9;
	_ =	strace $0x80000048  }
0xb3: {  	_ =	swait.ge [sflag:s29], $0x1  }
0xb4: {  	[sflag:s29] =	ssyncadd.s32 $0xFFFFFFFF  }
0xb5: {  	_ =	strace $0x90000048  }
0xb6: {  	_ =	sfence  }
0xb7: {  	s30 =	sld [smem:$0x0];
	_ =	sdelay $0x2  }
0xb8: {  	s31 =	sshll.u32 s1, $0xD;
	s1 =	sshrl.u32 s1, $0x2  }
0xb9: {  	s3 =	sand.u32 $0x4000, s31;
	s1 =	sadd.s32 s1, s30  }
0xba: {  	s0 =	sor.u32 s3, s0;
	s1 =	sshll.u32 s1, $0x11  }
0xbb: {  	s0 =	sor.u32 s1, s0  }
0xbc: {  	s0 =	sadd.s32 $0x8F2B, s0  }
0xbd: {  	[sflag:s0] =	ssyncadd.remote.s32 $0x1  }
0xbe: {  	_ =	sfence.sel $0xFFFF  }
0xbf: {  	[dreg:$0x0] =	wrdreg $0xFFFFFFFF;
	(pc) =	sbr.abs _section_cstart, $3  }
0xc0: {  	[dreg:$0x1] =	wrdreg $0xFFFFFFFF  }
0xc1: {  	_ =	task.clear_ibuf [dreg:s7], $0x2FFFF;
	_ =	strace $0x9FFFFFFF  }
0xc2: {  	(tm) =	ssettm $0x7FFFFFFF  }
0xc3: {  	_ =	shalt  }
tec
execute0_lowered:
.L_overlay_start_1:
0x0: {  	(tag) =	ssettag $0x1  }
0x1: {  	s0 =	rddreg [dreg:$0x0]  }
0x2: {  	s1 =	rddreg [dreg:$0x1]  }
0x3: {  	s3 =	srdreg.scid;
	s12 =	stileid.u32;
	s2 =	simm.s32 $0x0  }
0x4: {  	s19 =	simm.s32 $0x580;
	s20 =	simm.s32 $0xBA00;
	s21 =	simm.s32 $0x600  }
0x5: {  	s22 =	simm.s32 $0xCA00;
	s23 =	simm.s32 $0x680;
	s24 =	simm.s32 $0xDA00  }
0x6: {  	s25 =	simm.s32 $0x700;
	s26 =	simm.s32 $0xEA00;
	[smem:$0x7FF] =	sst s2  }
0x7: {  	s28 =	simm.s32 $0x6A00;
	_ =	strace $0x80000047;
	[dreg:$0x5] =	wrdreg s19  }
0x8: {  	s29 =	simm.s32 $0x480;
	s30 =	simm.s32 $0x9A00;
	[dreg:$0x6] =	wrdreg s20  }
0x9: {  	s31 =	simm.s32 $0x500;
	s5 =	sand.u32 $0x1, s3;
	[dreg:$0x7] =	wrdreg s21  }
0xa: {  	s11 =	sshll.u32 s12, $0x1;
	s8 =	smul.u32 $0xC800, s12;
	[dreg:$0x8] =	wrdreg s22  }
0xb: {  	s4 =	sadd.s32 $0xF42E00, s0;
	s18 =	smul.u32 $0x32000, s12;
	[dreg:$0x9] =	wrdreg s23  }
0xc: {  	s12 =	simm.s32 $0xA00;
	s3 =	sor.u32 s5, s11;
	[dreg:$0xa] =	wrdreg s24  }
0xd: {  	s7 =	ssub.s32 $0x2, s5;
	s11 =	smul.u32 $0x6400, s5;
	[dreg:$0xb] =	wrdreg s25  }
0xe: {  	s5 =	smul.u32 $0x19000, s5;
	[dreg:$0xc] =	wrdreg s26;
	s19 =	simm.s32 $0x2A00  }
0xf: {  	s20 =	simm.s32 $0x180;
	s21 =	simm.s32 $0x3A00;
	s22 =	simm.s32 $0x200  }
0x10: {  	s23 =	simm.s32 $0x4A00;
	s6 =	smul.u32 $0x6400, s3;
	s9 =	sshrl.u32 s7, $0x1  }
0x11: {  	s24 =	simm.s32 $0x280;
	s13 =	ssub.s32 s7, s9;
	s9 =	simm.s32 $0x11A00  }
0x12: {  	s3 =	sadd.s32 $0xA00, s0;
	s15 =	sadd.s32 $0xA00, s6;
	[dreg:$0x12] =	wrdreg s9  }
0x13: {  	s10 =	sshrl.u32 s6, $0x3;
	s6 =	sadd.s32 $0xF00, s6;
	[dreg:$0x3] =	wrdreg s15  }
0x14: {  	s8 =	sadd.s32 s11, s8;
	s0 =	smax.u32 s13, $0x1;
	[dreg:$0x4] =	wrdreg s6  }
0x15: {  	s16 =	sshll.u32 s8, $0x2;
	s8 =	simm.s32 $0x880;
	[dreg:$0x19] =	wrdreg s0  }
0x16: {  	s25 =	simm.s32 $0x5A00;
	s13 =	simm.s32 $0x900;
	[dreg:$0x11] =	wrdreg s8  }
0x17: {  	s26 =	simm.s32 $0x300;
	s14 =	sadd.s32 s3, s10;
	[dreg:$0x13] =	wrdreg s13  }
0x18: {  	s11 =	simm.s32 $0x80;
	s6 =	simm.s32 $0x800;
	[dreg:$0x17] =	wrdreg s14  }
0x19: {  	s17 =	sadd.s32 s1, s16;
	s15 =	simm.s32 $0x980;
	[dreg:$0xf] =	wrdreg s6  }
0x1a: {  	s10 =	simm.s32 $0x1;
	s16 =	simm.s32 $0x13A00;
	[dreg:$0x15] =	wrdreg s15  }
0x1b: {  	s13 =	simm.s32 $0x0;
	s7 =	sadd.s32 $0xA0, s14;
	[dreg:$0x16] =	wrdreg s16  }
0x1c: {  	s0 =	sadd.s32 $0x1400, s17;
	s17 =	simm.s32 $0x1A00;
	[dreg:$0x18] =	wrdreg s7  }
0x1d: {  	s14 =	simm.s32 $0x12A00;
	s6 =	simm.s32 $0xAA00;
	[dreg:$0x1a] =	wrdreg s0  }
0x1e: {  	s0 =	sadd.s32 s18, s1;
	s1 =	simm.s32 $0x780;
	[dreg:$0x14] =	wrdreg s14  }
0x1f: {  	s18 =	simm.s32 $0x100;
	s7 =	simm.s32 $0x10A00;
	[dreg:$0xd] =	wrdreg s1  }
0x20: {  	s0 =	sadd.s32 s5, s0;
	s5 =	simm.s32 $0xFA00;
	[dreg:$0x10] =	wrdreg s7  }
0x21: {  	s1 =	simm.s32 $0x2;
	s7 =	simm.s32 $0x4;
	[dreg:$0x1b] =	wrdreg s0  }
0x22: {  	[dreg:$0xe] =	wrdreg s5;
	s0 =	simm.s32 $0x3;
	s5 =	simm.s32 $0x5  }
.LBB2_1:
0x23: {  	[dreg:$0x1c] =	wrdreg s13  }
0x24: {  	s8 =	rddreg [dreg:$0x17]  }
0x25: {  	[tilespmem:s2], [sflag:$0x1] =	stream.linear.gather [hbm4b:s8+s2], $0x500, $0x38;
	[tilespmem:$0x14A00] =	vst v63  }
0x26: {  	_ =	swait.ge [sflag:s10], $0x500  }
0x27: {  	[sflag:s10] =	ssyncset.done $0x0  }
0x28: {  	[sflag:s10] =	ssyncadd.s32 $0xFFFFFB00  }
0x29: {  	[tilespmem:s12], [sflag:$0x3] =	stream.indirect.gather [hbm4b:s4+s11], $0x20, s2, s11, $0xb8;
	[tilespmem:$0x14A00] =	vst v63  }
0x2a: {  	_ = 	snop  }
0x2b: {  	[tilespmem:s17], [sflag:$0x3] =	stream.indirect.gather [hbm4b:s4+s11], $0x20, s11, s11, $0xb8;
	[tilespmem:$0x14A00] =	vst v63  }
0x2c: {  	_ = 	snop  }
0x2d: {  	[tilespmem:s19], [sflag:$0x3] =	stream.indirect.gather [hbm4b:s4+s11], $0x20, s18, s11, $0xb8;
	[tilespmem:$0x14A00] =	vst v63  }
0x2e: {  	_ = 	snop  }
0x2f: {  	[tilespmem:s21], [sflag:$0x3] =	stream.indirect.gather [hbm4b:s4+s11], $0x20, s20, s11, $0xb8;
	[tilespmem:$0x14A00] =	vst v63  }
0x30: {  	_ = 	snop  }
0x31: {  	[tilespmem:s23], [sflag:$0x3] =	stream.indirect.gather [hbm4b:s4+s11], $0x20, s22, s11, $0xb8;
	[tilespmem:$0x14A00] =	vst v63  }
0x32: {  	_ = 	snop  }
0x33: {  	[tilespmem:s25], [sflag:$0x3] =	stream.indirect.gather [hbm4b:s4+s11], $0x20, s24, s11, $0xb8;
	[tilespmem:$0x14A00] =	vst v63  }
0x34: {  	_ = 	snop  }
0x35: {  	[tilespmem:s28], [sflag:$0x3] =	stream.indirect.gather [hbm4b:s4+s11], $0x20, s26, s11, $0xb8;
	[tilespmem:$0x14A00] =	vst v63  }
0x36: {  	s16 =	simm.s32 $0x380;
	s9 =	simm.s32 $0x7A00  }
0x37: {  	[tilespmem:s9], [sflag:$0x3] =	stream.indirect.gather [hbm4b:s4+s11], $0x20, s16, s11, $0xb8;
	[tilespmem:$0x14A00] =	vst v63  }
0x38: {  	s13 =	simm.s32 $0x400;
	s14 =	simm.s32 $0x8A00  }
0x39: {  	[tilespmem:s14], [sflag:$0x3] =	stream.indirect.gather [hbm4b:s4+s11], $0x20, s13, s11, $0xb8;
	[tilespmem:$0x14A00] =	vst v63  }
0x3a: {  	_ = 	snop  }
0x3b: {  	[tilespmem:s30], [sflag:$0x3] =	stream.indirect.gather [hbm4b:s4+s11], $0x20, s29, s11, $0xb8;
	[tilespmem:$0x14A00] =	vst v63  }
0x3c: {  	s15 =	rddreg [dreg:$0x18]  }
0x3d: {  	[tilespmem:s31], [sflag:$0x2] =	stream.linear.gather [hbm4b:s15+s2], $0x500, $0x38;
	[tilespmem:$0x14A00] =	vst v63  }
0x3e: {  	_ =	swait.ge [sflag:s0], $0x1000  }
0x3f: {  	[sflag:s0] =	ssyncset.done $0x0  }
0x40: {  	[sflag:s0] =	ssyncadd.s32 $0xFFFFF000  }
0x41: {  	_ =	swait.ge [sflag:s0], $0x1000  }
0x42: {  	[sflag:s0] =	ssyncset.done $0x0  }
0x43: {  	[sflag:s0] =	ssyncadd.s32 $0xFFFFF000  }
0x44: {  	_ =	swait.ge [sflag:s0], $0x1000  }
0x45: {  	[sflag:s0] =	ssyncset.done $0x0  }
0x46: {  	[sflag:s0] =	ssyncadd.s32 $0xFFFFF000  }
0x47: {  	_ =	swait.ge [sflag:s0], $0x1000  }
0x48: {  	[sflag:s0] =	ssyncset.done $0x0  }
0x49: {  	[sflag:s0] =	ssyncadd.s32 $0xFFFFF000  }
0x4a: {  	_ =	swait.ge [sflag:s0], $0x1000  }
0x4b: {  	[sflag:s0] =	ssyncset.done $0x0  }
0x4c: {  	[sflag:s0] =	ssyncadd.s32 $0xFFFFF000  }
0x4d: {  	_ =	swait.ge [sflag:s0], $0x1000  }
0x4e: {  	[sflag:s0] =	ssyncset.done $0x0  }
0x4f: {  	[sflag:s0] =	ssyncadd.s32 $0xFFFFF000  }
0x50: {  	_ =	swait.ge [sflag:s0], $0x1000  }
0x51: {  	[sflag:s0] =	ssyncset.done $0x0  }
0x52: {  	[sflag:s0] =	ssyncadd.s32 $0xFFFFF000  }
0x53: {  	_ =	swait.ge [sflag:s0], $0x1000  }
0x54: {  	[sflag:s0] =	ssyncset.done $0x0  }
0x55: {  	[sflag:s0] =	ssyncadd.s32 $0xFFFFF000  }
0x56: {  	_ =	swait.ge [sflag:s0], $0x1000  }
0x57: {  	[sflag:s0] =	ssyncset.done $0x0  }
0x58: {  	[sflag:s0] =	ssyncadd.s32 $0xFFFFF000  }
0x59: {  	_ =	swait.ge [sflag:s0], $0x1000  }
0x5a: {  	[sflag:s0] =	ssyncset.done $0x0  }
0x5b: {  	[sflag:s0] =	ssyncadd.s32 $0xFFFFF000  }
0x5c: {  	_ =	swait.ge [sflag:s1], $0x500  }
0x5d: {  	p0 =	por $0x1, $0x1;
	[sflag:s1] =	ssyncset.done $0x0  }
0x5e: {  	s8 =	simm.s32 @!p0 $0x6;
	[sflag:s1] =	ssyncadd.s32 $0xFFFFFB00  }
0x5f: {  	_ =	swait.ge @!p0 [sflag:s8], $0xA000  }
0x60: {  	s9 =	rddreg [dreg:$0x3]  }
0x61: {  	s13 =	rddreg [dreg:$0x14]  }
0x62: {  	s14 =	rddreg [dreg:$0x7]  }
0x63: {  	[sflag:s8] =	ssyncset.done @!p0 $0x0;
	s15 =	rddreg [dreg:$0x5]  }
0x64: {  	s16 =	rddreg [dreg:$0x8];
	[sflag:s8] =	ssyncadd.s32 @!p0 $0xFFFF6000  }
0x65: {  	[tilespmem:s6], [sflag:$0x4] =	stream.indirect.gather [hbm4b:s4+s11], $0x20, s31, s11, $0xb8;
	[tilespmem:$0x14A00] =	vst v63  }
0x66: {  	s8 =	rddreg [dreg:$0x6]  }
0x67: {  	[tilespmem:s8], [sflag:$0x4] =	stream.indirect.gather [hbm4b:s4+s11], $0x20, s15, s11, $0xb8;
	[tilespmem:$0x14A00] =	vst v63  }
0x68: {  	s8 =	rddreg [dreg:$0x9]  }
0x69: {  	s15 =	rddreg [dreg:$0xa]  }
0x6a: {  	[tilespmem:s16], [sflag:$0x4] =	stream.indirect.gather [hbm4b:s4+s11], $0x20, s14, s11, $0xb8;
	[tilespmem:$0x14A00] =	vst v63  }
0x6b: {  	s14 =	rddreg [dreg:$0xc]  }
0x6c: {  	s16 =	rddreg [dreg:$0xb]  }
0x6d: {  	[tilespmem:s15], [sflag:$0x4] =	stream.indirect.gather [hbm4b:s4+s11], $0x20, s8, s11, $0xb8;
	[tilespmem:$0x14A00] =	vst v63  }
0x6e: {  	s8 =	rddreg [dreg:$0xe]  }
0x6f: {  	s15 =	rddreg [dreg:$0xd]  }
0x70: {  	[tilespmem:s14], [sflag:$0x4] =	stream.indirect.gather [hbm4b:s4+s11], $0x20, s16, s11, $0xb8;
	[tilespmem:$0x14A00] =	vst v63  }
0x71: {  	s14 =	rddreg [dreg:$0x10]  }
0x72: {  	s16 =	rddreg [dreg:$0xf]  }
0x73: {  	[tilespmem:s8], [sflag:$0x4] =	stream.indirect.gather [hbm4b:s4+s11], $0x20, s15, s11, $0xb8;
	[tilespmem:$0x14A00] =	vst v63  }
0x74: {  	s8 =	rddreg [dreg:$0x12]  }
0x75: {  	s15 =	rddreg [dreg:$0x11]  }
0x76: {  	[tilespmem:s14], [sflag:$0x4] =	stream.indirect.gather [hbm4b:s4+s11], $0x20, s16, s11, $0xb8;
	[tilespmem:$0x14A00] =	vst v63  }
0x77: {  	s14 =	rddreg [dreg:$0x13];
	s16 =	smin.u32 s2, $0x11  }
0x78: {  	[tilespmem:s8], [sflag:$0x4] =	stream.indirect.gather [hbm4b:s4+s11], $0x20, s15, s11, $0xb8;
	[tilespmem:$0x14A00] =	vst v63  }
0x79: {  	s15 =	rddreg [dreg:$0x16];
	s8 =	smul.u32 $0x500, s16  }
0x7a: {  	[tilespmem:s13], [sflag:$0x4] =	stream.indirect.gather [hbm4b:s4+s11], $0x20, s14, s11, $0xb8;
	[tilespmem:$0x14A00] =	vst v63  }
0x7b: {  	s16 =	rddreg [dreg:$0x15];
	s8 =	sadd.s32 s8, s9  }
0x7c: {  	[tilespmem:s15], [sflag:$0x4] =	stream.indirect.gather [hbm4b:s4+s11], $0x20, s16, s11, $0xb8;
	[tilespmem:$0x14A00] =	vst v63  }
0x7d: {  	s14 =	rddreg [dreg:$0x1b];
	s8 =	sshrl.u32 s8, $0x3  }
0x7e: {  	[hbm4b:s14+s2] =	stream.linear.scatter [tilespmem:s12], [sflag:$0x5], $0xA000, $0x38;
	[tilespmem:$0x14A00] =	vst v63  }
0x7f: {  	s8 =	sadd.s32 s3, s8  }
0x80: {  	[tilespmem:s2], [sflag:$0x1] =	stream.linear.gather [hbm4b:s8+s2], $0x500, $0x38;
	[tilespmem:$0x14A00] =	vst v63  }
0x81: {  	_ =	swait.ge [sflag:s7], $0x1000  }
0x82: {  	[sflag:s7] =	ssyncset.done $0x0  }
0x83: {  	[sflag:s7] =	ssyncadd.s32 $0xFFFFF000  }
0x84: {  	_ =	swait.ge [sflag:s7], $0x1000  }
0x85: {  	[sflag:s7] =	ssyncset.done $0x0  }
0x86: {  	[sflag:s7] =	ssyncadd.s32 $0xFFFFF000  }
0x87: {  	_ =	swait.ge [sflag:s7], $0x1000  }
0x88: {  	[sflag:s7] =	ssyncset.done $0x0  }
0x89: {  	[sflag:s7] =	ssyncadd.s32 $0xFFFFF000  }
0x8a: {  	_ =	swait.ge [sflag:s7], $0x1000  }
0x8b: {  	[sflag:s7] =	ssyncset.done $0x0  }
0x8c: {  	[sflag:s7] =	ssyncadd.s32 $0xFFFFF000  }
0x8d: {  	_ =	swait.ge [sflag:s7], $0x1000  }
0x8e: {  	[sflag:s7] =	ssyncset.done $0x0  }
0x8f: {  	[sflag:s7] =	ssyncadd.s32 $0xFFFFF000  }
0x90: {  	_ =	swait.ge [sflag:s7], $0x1000  }
0x91: {  	[sflag:s7] =	ssyncset.done $0x0  }
0x92: {  	[sflag:s7] =	ssyncadd.s32 $0xFFFFF000  }
0x93: {  	_ =	swait.ge [sflag:s7], $0x1000  }
0x94: {  	[sflag:s7] =	ssyncset.done $0x0  }
0x95: {  	[sflag:s7] =	ssyncadd.s32 $0xFFFFF000  }
0x96: {  	_ =	swait.ge [sflag:s7], $0x1000  }
0x97: {  	[sflag:s7] =	ssyncset.done $0x0  }
0x98: {  	[sflag:s7] =	ssyncadd.s32 $0xFFFFF000  }
0x99: {  	_ =	swait.ge [sflag:s7], $0x1000  }
0x9a: {  	[sflag:s7] =	ssyncset.done $0x0  }
0x9b: {  	[sflag:s7] =	ssyncadd.s32 $0xFFFFF000  }
0x9c: {  	_ =	swait.ge [sflag:s7], $0x1000  }
0x9d: {  	[sflag:s7] =	ssyncset.done $0x0  }
0x9e: {  	[sflag:s7] =	ssyncadd.s32 $0xFFFFF000  }
0x9f: {  	_ =	swait.ge [sflag:s10], $0x500  }
0xa0: {  	[sflag:s10] =	ssyncset.done $0x0  }
0xa1: {  	[sflag:s10] =	ssyncadd.s32 $0xFFFFFB00  }
0xa2: {  	_ =	swait.ge [sflag:s5], $0xA000  }
0xa3: {  	[sflag:s5] =	ssyncset.done $0x0  }
0xa4: {  	[sflag:s5] =	ssyncadd.s32 $0xFFFF6000  }
0xa5: {  	[tilespmem:s12], [sflag:$0x3] =	stream.indirect.gather [hbm4b:s4+s11], $0x20, s2, s11, $0xb8;
	[tilespmem:$0x14A00] =	vst v63  }
0xa6: {  	_ = 	snop  }
0xa7: {  	[tilespmem:s17], [sflag:$0x3] =	stream.indirect.gather [hbm4b:s4+s11], $0x20, s11, s11, $0xb8;
	[tilespmem:$0x14A00] =	vst v63  }
0xa8: {  	_ = 	snop  }
0xa9: {  	[tilespmem:s19], [sflag:$0x3] =	stream.indirect.gather [hbm4b:s4+s11], $0x20, s18, s11, $0xb8;
	[tilespmem:$0x14A00] =	vst v63  }
0xaa: {  	_ = 	snop  }
0xab: {  	[tilespmem:s21], [sflag:$0x3] =	stream.indirect.gather [hbm4b:s4+s11], $0x20, s20, s11, $0xb8;
	[tilespmem:$0x14A00] =	vst v63  }
0xac: {  	_ = 	snop  }
0xad: {  	[tilespmem:s23], [sflag:$0x3] =	stream.indirect.gather [hbm4b:s4+s11], $0x20, s22, s11, $0xb8;
	[tilespmem:$0x14A00] =	vst v63  }
0xae: {  	s22 =	smin.u32 s2, $0x10  }
0xaf: {  	s23 =	rddreg [dreg:$0x4];
	s8 =	smul.u32 $0x500, s22  }
0xb0: {  	[tilespmem:s25], [sflag:$0x3] =	stream.indirect.gather [hbm4b:s4+s11], $0x20, s24, s11, $0xb8;
	[tilespmem:$0x14A00] =	vst v63  }
0xb1: {  	s13 =	rddreg [dreg:$0x1a];
	s8 =	sadd.s32 s8, s23  }
0xb2: {  	[tilespmem:s28], [sflag:$0x3] =	stream.indirect.gather [hbm4b:s4+s11], $0x20, s26, s11, $0xb8;
	[tilespmem:$0x14A00] =	vst v63  }
0xb3: {  	s9 =	simm.s32 $0x2;
	s16 =	sshrl.u32 s8, $0x3;
	s8 =	smov.u32 s13  }
.LBB2_2:
0xb4: {  	s17 =	simm.s32 $0x380;
	s18 =	simm.s32 $0x7A00  }
0xb5: {  	[tilespmem:s18], [sflag:$0x3] =	stream.indirect.gather [hbm4b:s4+s11], $0x20, s17, s11, $0xb8;
	[tilespmem:$0x14A00] =	vst v63  }
0xb6: {  	s23 =	simm.s32 $0x400;
	s24 =	simm.s32 $0x8A00  }
0xb7: {  	[tilespmem:s24], [sflag:$0x3] =	stream.indirect.gather [hbm4b:s4+s11], $0x20, s23, s11, $0xb8;
	[tilespmem:$0x14A00] =	vst v63  }
0xb8: {  	_ = 	snop  }
0xb9: {  	[tilespmem:s30], [sflag:$0x3] =	stream.indirect.gather [hbm4b:s4+s11], $0x20, s29, s11, $0xb8;
	[tilespmem:$0x14A00] =	vst v63  }
0xba: {  	_ = 	snop  }
0xbb: {  	[hbm4b:s13+s2] =	stream.linear.scatter [tilespmem:s6], [sflag:$0x6], $0xA000, $0x38;
	[tilespmem:$0x14A00] =	vst v63  }
0xbc: {  	s16 =	sadd.s32 s3, s16  }
0xbd: {  	[tilespmem:s31], [sflag:$0x2] =	stream.linear.gather [hbm4b:s16+s2], $0x500, $0x38;
	[tilespmem:$0x14A00] =	vst v63  }
0xbe: {  	_ =	swait.ge [sflag:s0], $0x1000  }
0xbf: {  	[sflag:s0] =	ssyncset.done $0x0  }
0xc0: {  	[sflag:s0] =	ssyncadd.s32 $0xFFFFF000  }
0xc1: {  	_ =	swait.ge [sflag:s0], $0x1000  }
0xc2: {  	[sflag:s0] =	ssyncset.done $0x0  }
0xc3: {  	[sflag:s0] =	ssyncadd.s32 $0xFFFFF000  }
0xc4: {  	_ =	swait.ge [sflag:s0], $0x1000  }
0xc5: {  	[sflag:s0] =	ssyncset.done $0x0  }
0xc6: {  	[sflag:s0] =	ssyncadd.s32 $0xFFFFF000  }
0xc7: {  	_ =	swait.ge [sflag:s0], $0x1000  }
0xc8: {  	[sflag:s0] =	ssyncset.done $0x0  }
0xc9: {  	[sflag:s0] =	ssyncadd.s32 $0xFFFFF000  }
0xca: {  	_ =	swait.ge [sflag:s0], $0x1000  }
0xcb: {  	[sflag:s0] =	ssyncset.done $0x0  }
0xcc: {  	[sflag:s0] =	ssyncadd.s32 $0xFFFFF000  }
0xcd: {  	_ =	swait.ge [sflag:s0], $0x1000  }
0xce: {  	[sflag:s0] =	ssyncset.done $0x0  }
0xcf: {  	[sflag:s0] =	ssyncadd.s32 $0xFFFFF000  }
0xd0: {  	_ =	swait.ge [sflag:s0], $0x1000  }
0xd1: {  	[sflag:s0] =	ssyncset.done $0x0  }
0xd2: {  	[sflag:s0] =	ssyncadd.s32 $0xFFFFF000  }
0xd3: {  	_ =	swait.ge [sflag:s0], $0x1000  }
0xd4: {  	[sflag:s0] =	ssyncset.done $0x0  }
0xd5: {  	[sflag:s0] =	ssyncadd.s32 $0xFFFFF000  }
0xd6: {  	_ =	swait.ge [sflag:s0], $0x1000  }
0xd7: {  	[sflag:s0] =	ssyncset.done $0x0  }
0xd8: {  	[sflag:s0] =	ssyncadd.s32 $0xFFFFF000  }
0xd9: {  	_ =	swait.ge [sflag:s0], $0x1000  }
0xda: {  	[sflag:s0] =	ssyncset.done $0x0  }
0xdb: {  	[sflag:s0] =	ssyncadd.s32 $0xFFFFF000  }
0xdc: {  	s15 =	smov.u32 s9;
	_ =	swait.ge [sflag:s1], $0x500  }
0xdd: {  	p1 =	seq.s32 s15, $0x0;
	[sflag:s1] =	ssyncset.done $0x0  }
0xde: {  	s16 =	simm.s32 @!p1 $0x6;
	[sflag:s1] =	ssyncadd.s32 $0xFFFFFB00  }
0xdf: {  	_ =	swait.ge @!p1 [sflag:s16], $0xA000  }
0xe0: {  	s26 =	rddreg [dreg:$0x3]  }
0xe1: {  	s19 =	rddreg [dreg:$0x14]  }
0xe2: {  	s20 =	rddreg [dreg:$0x12]  }
0xe3: {  	s18 =	rddreg [dreg:$0x10]  }
0xe4: {  	s21 =	rddreg [dreg:$0xe]  }
0xe5: {  	s22 =	rddreg [dreg:$0xc]  }
0xe6: {  	s23 =	rddreg [dreg:$0x9]  }
0xe7: {  	s25 =	smin.u32 s15, $0x11;
	s24 =	rddreg [dreg:$0x7]  }
0xe8: {  	s17 =	smul.u32 $0x500, s25;
	[sflag:s16] =	ssyncset.done @!p1 $0x0;
	s25 =	rddreg [dreg:$0x5]  }
0xe9: {  	s28 =	rddreg [dreg:$0x8];
	[sflag:s16] =	ssyncadd.s32 @!p1 $0xFFFF6000  }
0xea: {  	[tilespmem:s6], [sflag:$0x4] =	stream.indirect.gather [hbm4b:s4+s11], $0x20, s31, s11, $0xb8;
	[tilespmem:$0x14A00] =	vst v63  }
0xeb: {  	s17 =	sadd.s32 s17, s26;
	s26 =	rddreg [dreg:$0x6]  }
0xec: {  	[tilespmem:s26], [sflag:$0x4] =	stream.indirect.gather [hbm4b:s4+s11], $0x20, s25, s11, $0xb8;
	[tilespmem:$0x14A00] =	vst v63  }
0xed: {  	s16 =	rddreg [dreg:$0x16]  }
0xee: {  	[tilespmem:s28], [sflag:$0x4] =	stream.indirect.gather [hbm4b:s4+s11], $0x20, s24, s11, $0xb8;
	[tilespmem:$0x14A00] =	vst v63  }
0xef: {  	s25 =	rddreg [dreg:$0xa]  }
0xf0: {  	[tilespmem:s25], [sflag:$0x4] =	stream.indirect.gather [hbm4b:s4+s11], $0x20, s23, s11, $0xb8;
	[tilespmem:$0x14A00] =	vst v63  }
0xf1: {  	s24 =	rddreg [dreg:$0xb]  }
0xf2: {  	[tilespmem:s22], [sflag:$0x4] =	stream.indirect.gather [hbm4b:s4+s11], $0x20, s24, s11, $0xb8;
	[tilespmem:$0x14A00] =	vst v63  }
0xf3: {  	s23 =	rddreg [dreg:$0xd]  }
0xf4: {  	[tilespmem:s21], [sflag:$0x4] =	stream.indirect.gather [hbm4b:s4+s11], $0x20, s23, s11, $0xb8;
	[tilespmem:$0x14A00] =	vst v63  }
0xf5: {  	s22 =	rddreg [dreg:$0xf]  }
0xf6: {  	[tilespmem:s18], [sflag:$0x4] =	stream.indirect.gather [hbm4b:s4+s11], $0x20, s22, s11, $0xb8;
	[tilespmem:$0x14A00] =	vst v63  }
0xf7: {  	s21 =	rddreg [dreg:$0x11]  }
0xf8: {  	[tilespmem:s20], [sflag:$0x4] =	stream.indirect.gather [hbm4b:s4+s11], $0x20, s21, s11, $0xb8;
	[tilespmem:$0x14A00] =	vst v63  }
0xf9: {  	s18 =	rddreg [dreg:$0x13]  }
0xfa: {  	[tilespmem:s19], [sflag:$0x4] =	stream.indirect.gather [hbm4b:s4+s11], $0x20, s18, s11, $0xb8;
	[tilespmem:$0x14A00] =	vst v63  }
0xfb: {  	s20 =	rddreg [dreg:$0x15]  }
0xfc: {  	[tilespmem:s16], [sflag:$0x4] =	stream.indirect.gather [hbm4b:s4+s11], $0x20, s20, s11, $0xb8;
	[tilespmem:$0x14A00] =	vst v63  }
0xfd: {  	s14 =	sadd.s32 $0x2800, s14;
	s17 =	sshrl.u32 s17, $0x3  }
0xfe: {  	[hbm4b:s14+s2] =	stream.linear.scatter [tilespmem:s12], [sflag:$0x5], $0xA000, $0x38;
	[tilespmem:$0x14A00] =	vst v63  }
0xff: {  	s16 =	sadd.s32 s3, s17  }
0x100: {  	[tilespmem:s2], [sflag:$0x1] =	stream.linear.gather [hbm4b:s16+s2], $0x500, $0x38;
	[tilespmem:$0x14A00] =	vst v63  }
0x101: {  	_ =	swait.ge [sflag:s7], $0x1000  }
0x102: {  	[sflag:s7] =	ssyncset.done $0x0  }
0x103: {  	[sflag:s7] =	ssyncadd.s32 $0xFFFFF000  }
0x104: {  	_ =	swait.ge [sflag:s7], $0x1000  }
0x105: {  	[sflag:s7] =	ssyncset.done $0x0  }
0x106: {  	[sflag:s7] =	ssyncadd.s32 $0xFFFFF000  }
0x107: {  	_ =	swait.ge [sflag:s7], $0x1000  }
0x108: {  	[sflag:s7] =	ssyncset.done $0x0  }
0x109: {  	[sflag:s7] =	ssyncadd.s32 $0xFFFFF000  }
0x10a: {  	_ =	swait.ge [sflag:s7], $0x1000  }
0x10b: {  	[sflag:s7] =	ssyncset.done $0x0  }
0x10c: {  	[sflag:s7] =	ssyncadd.s32 $0xFFFFF000  }
0x10d: {  	_ =	swait.ge [sflag:s7], $0x1000  }
0x10e: {  	[sflag:s7] =	ssyncset.done $0x0  }
0x10f: {  	[sflag:s7] =	ssyncadd.s32 $0xFFFFF000  }
0x110: {  	_ =	swait.ge [sflag:s7], $0x1000  }
0x111: {  	[sflag:s7] =	ssyncset.done $0x0  }
0x112: {  	[sflag:s7] =	ssyncadd.s32 $0xFFFFF000  }
0x113: {  	_ =	swait.ge [sflag:s7], $0x1000  }
0x114: {  	[sflag:s7] =	ssyncset.done $0x0  }
0x115: {  	[sflag:s7] =	ssyncadd.s32 $0xFFFFF000  }
0x116: {  	_ =	swait.ge [sflag:s7], $0x1000  }
0x117: {  	[sflag:s7] =	ssyncset.done $0x0  }
0x118: {  	[sflag:s7] =	ssyncadd.s32 $0xFFFFF000  }
0x119: {  	_ =	swait.ge [sflag:s7], $0x1000  }
0x11a: {  	[sflag:s7] =	ssyncset.done $0x0  }
0x11b: {  	[sflag:s7] =	ssyncadd.s32 $0xFFFFF000  }
0x11c: {  	_ =	swait.ge [sflag:s7], $0x1000  }
0x11d: {  	[sflag:s7] =	ssyncset.done $0x0  }
0x11e: {  	[sflag:s7] =	ssyncadd.s32 $0xFFFFF000  }
0x11f: {  	_ =	swait.ge [sflag:s10], $0x500  }
0x120: {  	[sflag:s10] =	ssyncset.done $0x0  }
0x121: {  	[sflag:s10] =	ssyncadd.s32 $0xFFFFFB00  }
0x122: {  	_ =	swait.ge [sflag:s5], $0xA000  }
0x123: {  	[sflag:s5] =	ssyncset.done $0x0  }
0x124: {  	[sflag:s5] =	ssyncadd.s32 $0xFFFF6000  }
0x125: {  	[tilespmem:s12], [sflag:$0x3] =	stream.indirect.gather [hbm4b:s4+s11], $0x20, s2, s11, $0xb8;
	[tilespmem:$0x14A00] =	vst v63  }
0x126: {  	s8 =	sadd.s32 $0x2800, s8;
	s9 =	sadd.s32 $0x2, s9;
	s17 =	simm.s32 $0x1A00  }
0x127: {  	[tilespmem:s17], [sflag:$0x3] =	stream.indirect.gather [hbm4b:s4+s11], $0x20, s11, s11, $0xb8;
	[tilespmem:$0x14A00] =	vst v63  }
0x128: {  	p0 =	sne.s32 s9, $0x14;
	s19 =	simm.s32 $0x2A00;
	s18 =	simm.s32 $0x100  }
0x129: {  	[tilespmem:s19], [sflag:$0x3] =	stream.indirect.gather [hbm4b:s4+s11], $0x20, s18, s11, $0xb8;
	[tilespmem:$0x14A00] =	vst v63  }
0x12a: {  	s15 =	smin.u32 s15, $0x10;
	s21 =	simm.s32 $0x3A00;
	s20 =	simm.s32 $0x180  }
0x12b: {  	[tilespmem:s21], [sflag:$0x3] =	stream.indirect.gather [hbm4b:s4+s11], $0x20, s20, s11, $0xb8;
	[tilespmem:$0x14A00] =	vst v63  }
0x12c: {  	s15 =	smul.u32 $0x500, s15;
	s23 =	simm.s32 $0x4A00;
	s22 =	simm.s32 $0x200  }
0x12d: {  	[tilespmem:s23], [sflag:$0x3] =	stream.indirect.gather [hbm4b:s4+s11], $0x20, s22, s11, $0xb8;
	[tilespmem:$0x14A00] =	vst v63  }
.Ltmp0:
0x12e: {  	s13 =	smov.u32 s8;
	s16 =	rddreg [dreg:$0x4];
	(pc) =	sbr.rel @p0 .LBB2_2-.Ltmp0, $4  }
0x12f: {  	s25 =	simm.s32 $0x5A00;
	s24 =	simm.s32 $0x280;
	s15 =	sadd.s32 s15, s16  }
0x130: {  	[tilespmem:s25], [sflag:$0x3] =	stream.indirect.gather [hbm4b:s4+s11], $0x20, s24, s11, $0xb8;
	[tilespmem:$0x14A00] =	vst v63  }
0x131: {  	s26 =	simm.s32 $0x300;
	s28 =	simm.s32 $0x6A00;
	s16 =	sshrl.u32 s15, $0x3  }
0x132: {  	[tilespmem:s28], [sflag:$0x3] =	stream.indirect.gather [hbm4b:s4+s11], $0x20, s26, s11, $0xb8;
	[tilespmem:$0x14A00] =	vst v63  }
0x133: {  	s8 =	simm.s32 $0x380;
	s9 =	simm.s32 $0x7A00  }
0x134: {  	[tilespmem:s9], [sflag:$0x3] =	stream.indirect.gather [hbm4b:s4+s11], $0x20, s8, s11, $0xb8;
	[tilespmem:$0x14A00] =	vst v63  }
0x135: {  	s14 =	simm.s32 $0x400;
	s15 =	simm.s32 $0x8A00  }
0x136: {  	[tilespmem:s15], [sflag:$0x3] =	stream.indirect.gather [hbm4b:s4+s11], $0x20, s14, s11, $0xb8;
	[tilespmem:$0x14A00] =	vst v63  }
0x137: {  	_ = 	snop  }
0x138: {  	[tilespmem:s30], [sflag:$0x3] =	stream.indirect.gather [hbm4b:s4+s11], $0x20, s29, s11, $0xb8;
	[tilespmem:$0x14A00] =	vst v63  }
0x139: {  	_ = 	snop  }
0x13a: {  	[hbm4b:s13+s2] =	stream.linear.scatter [tilespmem:s6], [sflag:$0x6], $0xA000, $0x38;
	[tilespmem:$0x14A00] =	vst v63  }
0x13b: {  	s13 =	sadd.s32 s3, s16  }
0x13c: {  	[tilespmem:s31], [sflag:$0x2] =	stream.linear.gather [hbm4b:s13+s2], $0x500, $0x38;
	[tilespmem:$0x14A00] =	vst v63  }
0x13d: {  	_ =	swait.ge [sflag:s0], $0x1000  }
0x13e: {  	[sflag:s0] =	ssyncset.done $0x0  }
0x13f: {  	[sflag:s0] =	ssyncadd.s32 $0xFFFFF000  }
0x140: {  	_ =	swait.ge [sflag:s0], $0x1000  }
0x141: {  	[sflag:s0] =	ssyncset.done $0x0  }
0x142: {  	[sflag:s0] =	ssyncadd.s32 $0xFFFFF000  }
0x143: {  	_ =	swait.ge [sflag:s0], $0x1000  }
0x144: {  	[sflag:s0] =	ssyncset.done $0x0  }
0x145: {  	[sflag:s0] =	ssyncadd.s32 $0xFFFFF000  }
0x146: {  	_ =	swait.ge [sflag:s0], $0x1000  }
0x147: {  	[sflag:s0] =	ssyncset.done $0x0  }
0x148: {  	[sflag:s0] =	ssyncadd.s32 $0xFFFFF000  }
0x149: {  	_ =	swait.ge [sflag:s0], $0x1000  }
0x14a: {  	[sflag:s0] =	ssyncset.done $0x0  }
0x14b: {  	[sflag:s0] =	ssyncadd.s32 $0xFFFFF000  }
0x14c: {  	_ =	swait.ge [sflag:s0], $0x1000  }
0x14d: {  	[sflag:s0] =	ssyncset.done $0x0  }
0x14e: {  	[sflag:s0] =	ssyncadd.s32 $0xFFFFF000  }
0x14f: {  	_ =	swait.ge [sflag:s0], $0x1000  }
0x150: {  	[sflag:s0] =	ssyncset.done $0x0  }
0x151: {  	[sflag:s0] =	ssyncadd.s32 $0xFFFFF000  }
0x152: {  	_ =	swait.ge [sflag:s0], $0x1000  }
0x153: {  	[sflag:s0] =	ssyncset.done $0x0  }
0x154: {  	[sflag:s0] =	ssyncadd.s32 $0xFFFFF000  }
0x155: {  	_ =	swait.ge [sflag:s0], $0x1000  }
0x156: {  	[sflag:s0] =	ssyncset.done $0x0  }
0x157: {  	[sflag:s0] =	ssyncadd.s32 $0xFFFFF000  }
0x158: {  	_ =	swait.ge [sflag:s0], $0x1000  }
0x159: {  	[sflag:s0] =	ssyncset.done $0x0  }
0x15a: {  	[sflag:s0] =	ssyncadd.s32 $0xFFFFF000  }
0x15b: {  	_ =	swait.ge [sflag:s1], $0x500  }
0x15c: {  	[sflag:s1] =	ssyncset.done $0x0  }
0x15d: {  	s14 =	simm.s32 $0x6;
	[sflag:s1] =	ssyncadd.s32 $0xFFFFFB00  }
0x15e: {  	_ =	swait.ge [sflag:s14], $0xA000  }
0x15f: {  	s15 =	rddreg [dreg:$0x1c]  }
0x160: {  	s16 =	rddreg [dreg:$0x19];
	s13 =	sadd.s32 $0x1, s15  }
0x161: {  	p0 =	sne.s32 s13, s16  }
.Ltmp1:
0x162: {  	_ = 	snop;
	(pc) =	sbr.rel @p0 .LBB2_1-.Ltmp1, $3  }
0x163: {  	_ =	sdelay $0x1  }
0x164: {  	[sflag:s14] =	ssyncset.done $0x0  }
0x165: {  	[sflag:s14] =	ssyncadd.s32 $0xFFFF6000  }
0x166: {  	_ =	sfence.sel $0x180000  }
0x167: {  	[bflag:$0x0] =	sbarrier.arrive $0xFFFF  }
0x168: {  	_ =	strace $0x90000047  }
0x169: {  	s0 =	stileid.u32;
	[bflag:$0x2] =	sbarrier.arrive $0xFFFF  }
0x16a: {  	p0 =	sne.s32 s0, $0x0;
	s0 =	rddreg [dreg:$0x2]  }
0x16b: {  	s0 =	sadd.s32 @!p0 $0x100000, s0  }
0x16c: {  	[sflag:s0] =	ssyncadd.tile.s32 @!p0 $0x1;
	_ =	shalt  }
.Lfunc_end2:
_tile_overlayer_lowered:
.L_overlay_start_2:
0x16d: {  	(tag) =	ssettag $0x2  }
0x16e: {  	s0 =	rddreg [dreg:$0x0];
	s2 =	stileid.u32  }
0x16f: {  	s1 =	rddreg [dreg:$0x1];
	p0 =	sne.s32 s2, $0x0  }
0x170: {  	s3 =	rddreg [dreg:$0x2];
	[bflag:$0x3] =	sbarrier.arrive $0xFFFF;
	s2 =	simm.s32 @!p0 $0x1C07  }
0x171: {  	[timem:s3], [sflag:s2] =	dma.local @!p0 [hbm:s0], s1  }
0x172: {  	s0 =	simm.s32 @!p0 $0x7  }
0x173: {  	_ =	swait.ge @!p0 [sflag:s0], s1  }
0x174: {  	s1 =	ssub.s32 @!p0 $0x0, s1;
	[sflag:s0] =	ssyncset.done @!p0 $0x0  }
0x175: {  	[sflag:s0] =	ssyncadd.s32 @!p0 s1  }
0x176: {  	[bflag:$0x3] =	sbarrier.arrive $0xFFFF  }
0x177: {  	_ =	shalt  }

// kernel: sparse-core-data-format-call.cloned.1.call-start
scs
called_computation_lowered:
.L_overlay_start_0:
0x0: {  	s2 =	sld [smem:$0x3FD9]  }
0x1: {  	s3 =	sld [smem:$0x3FFE];
	_ =	sdelay $0x1  }
0x2: {  	s1 =	srdreg.scid  }
0x3: {  	s0 =	sand.u32 $0x1, s1  }
0x4: {  	s18 =	sshll.u32 s0, $0xA;
	s2 =	sadd.s32 s3, s2  }
0x5: {  	s2 =	sadd.s32 s2, s18  }
0x6: {  	[smem:$0x3FC6] =	sst s2  }
0x7: {  	_ = 	snop  }
0x8: {  	s2 =	sld [smem:$0x3FD0];
	(tm) =	ssettm $0x1  }
0x9: {  	s19 =	sld [smem:$0x3FFB];
	_ =	sdelay $0x3  }
0xa: {  	_ =	strace s19  }
0xb: {  	s3 =	sld [smem:$0x3FFC];
	_ =	sdelay $0x3  }
0xc: {  	_ =	strace s3  }
0xd: {  	s3 =	sld [smem:$0x3FFD];
	_ =	sdelay $0x3  }
0xe: {  	_ =	strace s3  }
0xf: {  	_ =	strace $0x8FFFFFFF  }
0x10: {  	s20 =	sld [smem:$0x3FDB];
	_ =	sdelay $0x1  }
0x11: {  	s4 =	simm.s32 $_scs_section_size  }
0x12: {  	s5 =	simm.s32 $_size__tile_overlayer_lowered;
	s6 =	simm.s32 $_tile_overlayer_lowered  }
0x13: {  	s23 =	simm.s32 $0x1BFF;
	s22 =	sshll.u32 s6, $0x1;
	s3 =	sadd.s32 s4, s20  }
0x14: {  	s7 =	simm.s32 $0x0;
	s21 =	sshll.u32 s5, $0x1;
	s5 =	sadd.s32 s22, s3  }
0x15: {  	[timem:s7], [sflag:s23] =	dma.local [hbm:s5], s21  }
0x16: {  	_ =	swait.ge [sflag:s23], s21  }
0x17: {  	s4 =	ssub.s32 $0x0, s21;
	[sflag:s23] =	ssyncset.done $0x0  }
0x18: {  	[sflag:s23] =	ssyncadd.s32 s4;
	_ =	sdelay $0x1  }
0x19: {  	s24 =	simm.s32 $0x1B8B  }
0x1a: {  	_ =	swait.ge [sflag:s24], $0x1  }
0x1b: {  	[sflag:s24] =	ssyncset.done $0x0  }
0x1c: {  	s26 =	simm.s32 $0x1B8E;
	s25 =	sld [smem:$0x3FFE];
	[sflag:s24] =	ssyncadd.s32 $0xFFFFFFFF  }
0x1d: {  	s27 =	simm.s32 $execute0_lowered;
	[smem:$0x3FD2] =	sst s26  }
0x1e: {  	s5 =	sshll.u32 s27, $0x1;
	_ =	strace $0x80000049;
	[dreg:$0x1] =	wrdreg $0xFFFFFFFF  }
0x1f: {  	s28 =	simm.s32 $_size_execute0_lowered;
	s3 =	sadd.s32 s3, s5;
	[dreg:$0x0] =	wrdreg $0x0  }
0x20: {  	s5 =	sshll.u32 s28, $0x1;
	[dreg:$0x2] =	wrdreg s3  }
0x21: {  	[dreg:$0x3] =	wrdreg s5  }
0x22: {  	[dreg:$0x4] =	wrdreg $0xC0  }
0x23: {  	_ =	task [dreg:s7], $0x5FFFF  }
0x24: {  	[dreg:$0x1] =	wrdreg $0xFFFFFFFF  }
0x25: {  	[dreg:$0x0] =	wrdreg $0x60  }
0x26: {  	[dreg:$0x2] =	wrdreg s25  }
0x27: {  	[dreg:$0x3] =	wrdreg s2  }
0x28: {  	[dreg:$0x4] =	wrdreg $0x9  }
0x29: {  	_ =	task.clear_ibuf [dreg:s7], $0x5FFFF;
	_ =	strace $0x90000049  }
0x2a: {  	s29 =	simm.s32 $0x9;
	_ =	strace $0x8000004B  }
0x2b: {  	_ =	swait.ge [sflag:s29], $0x1  }
0x2c: {  	[sflag:s29] =	ssyncadd.s32 $0xFFFFFFFF  }
0x2d: {  	_ =	strace $0x9000004B  }
0x2e: {  	_ =	sfence  }
0x2f: {  	s30 =	sld [smem:$0x0];
	_ =	sdelay $0x2  }
0x30: {  	s31 =	sshll.u32 s1, $0xD;
	s1 =	sshrl.u32 s1, $0x2  }
0x31: {  	s3 =	sand.u32 $0x4000, s31;
	s1 =	sadd.s32 s1, s30  }
0x32: {  	s0 =	sor.u32 s3, s0;
	s1 =	sshll.u32 s1, $0x11  }
0x33: {  	s0 =	sor.u32 s1, s0  }
0x34: {  	s0 =	sadd.s32 $0x8F2B, s0  }
0x35: {  	[sflag:s0] =	ssyncadd.remote.s32 $0x1  }
0x36: {  	_ =	sfence.sel $0xFFFF  }
0x37: {  	[dreg:$0x0] =	wrdreg $0xFFFFFFFF;
	(pc) =	sbr.abs _section_cstart, $3  }
0x38: {  	[dreg:$0x1] =	wrdreg $0xFFFFFFFF  }
0x39: {  	_ =	task.clear_ibuf [dreg:s7], $0x2FFFF;
	_ =	strace $0x9FFFFFFF  }
0x3a: {  	(tm) =	ssettm $0x7FFFFFFF  }
0x3b: {  	_ =	shalt  }
tec
execute0_lowered:
.L_overlay_start_1:
0x0: {  	(tag) =	ssettag $0x1  }
0x1: {  	s0 =	srdreg.scid  }
0x2: {  	s1 =	sshll.u32 s0, $0x4  }
0x3: {  	s0 =	stileid.u32;
	s1 =	sand.u32 $0x10, s1  }
0x4: {  	s1 =	sor.u32 s0, s1  }
0x5: {  	s6 =	rddreg [dreg:$0x0];
	s4 =	simm.s32 $0x1;
	s2 =	sshll.u32 s1, $0x7  }
0x6: {  	s7 =	simm.s32 $0x2;
	s12 =	simm.s32 $0x0;
	s1 =	ssub.s32 $0x1000, s2  }
0x7: {  	s8 =	simm.s32 $0x8000;
	s13 =	simm.s32 $0x0;
	s3 =	sand.u32 $0xF80, s1  }
0x8: {  	s9 =	simm.s32 $0x0;
	s5 =	sshrl.u32 s1, $0xC;
	p0 =	sne.s32 s3, $0x0  }
.Ltmp0:
0x9: {  	s1 =	rddreg [dreg:$0x2];
	s4 =	simm.s32 @!p0 $0x0;
	(pc) =	sbr.rel .LBB1_1-.Ltmp0, $4  }
0xa: {  	s11 =	simm.s32 $0x0;
	s3 =	rddreg [dreg:$0x1];
	s5 =	sadd.s32 s4, s5  }
0xb: {  	_ =	strace $0x8000004A;
	s4 =	simm.s32 $0x1;
	s5 =	smul.u32 $0xC8, s5  }
0xc: {  	s6 =	sadd.s32 $0xA00, s6;
	s10 =	smov.u32 s2;
	[sflag:s4] =	ssyncpa.u1 $0x0  }
0xd: {  	p0 =	por $0x0, $0x0;
	[sflag:s7] =	ssyncpa.u1 $0x0;
	s7 =	sor.u32 $0x1, s5  }
.LBB1_4:
0xe: {  	s16 =	sshll.u32 s13, $0x3;
	s17 =	sand.u32 $0x78, s13  }
0xf: {  	s30 =	sand.u32 $0x3E00, s13;
	s12 =	sshll.u32 s12, $0xE;
	s16 =	sand.u32 $0xC00, s16  }
0x10: {  	s31 =	sand.u32 $0x7, s13;
	s16 =	sor.u32 s17, s16;
	s17 =	sadd.s32 s3, s30  }
0x11: {  	s13 =	sshll.u32 s31, $0x12;
	s16 =	sshrl.u32 s16, $0x3;
	s12 =	sadd.s32 s12, s17  }
0x12: {  	[tilespmem:s15+$0x0 ss:$0x81] =	vst.msk $0xffff, v0;
	s13 =	sor.u32 $0x400, s13;
	s12 =	sadd.s32 s16, s12  }
0x13: {  	[hbm4b:s12+s13] =	stream.strided.scatter [tilespmem:s14], [sflag:$0x2], $0x1000, s8, s13, $0x20;
	[tilespmem:$0x4040] =	vst v63  }
.LBB1_5:
0x14: {  	s14 =	sadd.s32 $0x1, s9  }
0x15: {  	s12 =	sadd.s32 $0x1000, s10;
	s16 =	smov.u32 s10;
	p2 =	sgt.s32 s14, $0xC7  }
0x16: {  	s16 =	smov.u32 @p2 s12  }
0x17: {  	s14 =	simm.s32 @p2 $0x0;
	p2 =	sgt.s32 s16, $0xFFF  }
0x18: {  	s16 =	smov.u32 @p2 s2;
	p2 =	sne.s32 s11, s7  }
.Ltmp1:
0x19: {  	p1 =	slt.u32 s11, $0x2;
	(pc) =	sbr.rel @!p2 .LBB1_6-.Ltmp1, $4  }
0x1a: {  	s15 =	simm.s32 @!p1 $0x2  }
0x1b: {  	s13 =	smov.u32 s10;
	p0 =	por !p0, !p0;
	_ =	swait.ge @!p1 [sflag:s15], $0x1000  }
0x1c: {  	s12 =	smov.u32 s9;
	[sflag:s15] =	ssyncset.done @!p1 $0x0;
	s9 =	smov.u32 s14  }
0x1d: {  	s11 =	sadd.s32 $0x1, s11;
	[sflag:s15] =	ssyncadd.s32 @!p1 $0xFFFFF000;
	s10 =	smov.u32 s16  }
.LBB1_1:
0x1e: {  	p1 =	sge.u32 s11, s5  }
0x1f: {  	s14 =	sand.u32 @!p1 $0x1FFFFFF, s9  }
0x20: {  	s15 =	smulhi.u32 @!p1 $0x147AE15, s14;
	_ =	sdelay $0x1  }
0x21: {  	s15 =	smul.u32 @!p1 $0xC8, s15  }
0x22: {  	s16 =	sxor.u32 @!p1 $0xFFFFFFFF, s11;
	s17 =	smul.u32 @!p1 $0xC80, s10  }
0x23: {  	s31 =	sadd.s32 $0xFFFFFFFF, s11;
	s16 =	sshll.u32 @!p1 s16, $0xC;
	s14 =	ssub.s32 @!p1 s14, s15  }
0x24: {  	s15 =	sand.u32 @!p1 $0x1000, s16;
	s16 =	sadd.s32 @!p1 s6, s17;
	s14 =	sshll.u32 @!p1 s14, $0x4  }
0x25: {  	s17 =	simm.s32 @!p1 $0x6400;
	s14 =	sadd.s32 @!p1 s14, s16;
	s16 =	simm.s32 @!p1 $0x20  }
0x26: {  	[tilespmem:s15], [sflag:$0x1] =	stream.strided.gather @!p1 [hbm4b:s14+s16], $0x1000, s17, s16, $0x38;
	[tilespmem:$0x4040] =	vst v63  }
0x27: {  	p1 =	sge.u32 s31, s5  }
.Ltmp2:
0x28: {  	_ = 	snop;
	(pc) =	sbr.rel @p1 .LBB1_5-.Ltmp2, $1  }
0x29: {  	_ =	sdelay $0x3  }
0x2a: {  	s14 =	simm.s32 $0x1  }
0x2b: {  	_ =	swait.ge [sflag:s4], $0x1000;
	s14 =	simm.s32 @!p0 $0x0  }
0x2c: {  	[sflag:s4] =	ssyncset.done $0x0;
	s15 =	sshll.u32 s14, $0xC  }
0x2d: {  	[sflag:s4] =	ssyncadd.s32 $0xFFFFF000;
	s18 =	sor.u32 $0x10, s15  }
0x2e: {  	s14 =	smul.u32 $0x4080, s14;
	v1 =	vld [tilespmem:s18+$0x0]  }
0x2f: {  	s30 =	sand.u32 $0x1, s11;
	v0 =	vld [tilespmem:s18+$0xFFFFFFF0]  }
0x30: {  	s15 =	smul.u32 $0x4080, s30;
	s14 =	sshrl.u32 s14, $0x2  }
0x31: {  	s16 =	sor.u32 $0x2000, s14  }
0x32: {  	s31 =	sshrl.u32 s15, $0x2;
	s15 =	sadd.s32 $0x0, s16  }
0x33: {  	s17 =	simm.s32 $0x4;
	s18 =	sadd.s32 $0x20, s18;
	s14 =	sor.u32 $0x2000, s31;
	[tilespmem:s15+$0x810 ss:$0x81] =	vst.msk $0xffff, v1  }
.LBB1_3:
0x34: {  	v1 =	vld [tilespmem:s18+$0x0];
	p1 =	sne.s32 s17, $0x1FC;
	[tilespmem:s15+$0x0 ss:$0x81] =	vst.msk $0xffff, v0;
	s15 =	smov.u32 s17;
	s17 =	sadd.s32 $0x4, s17  }
.Ltmp3:
0x35: {  	v0 =	vld [tilespmem:s18+$0xFFFFFFF0];
	(pc) =	sbr.rel @p1 .LBB1_3-.Ltmp3, $4  }
0x36: {  	_ = 	snop  }
0x37: {  	s15 =	sshra.s32 s15, $0x2  }
0x38: {  	s15 =	sadd.s32 s15, s16  }
0x39: {  	s18 =	sadd.s32 $0x20, s18;
	[tilespmem:s15+$0x810 ss:$0x81] =	vst.msk $0xffff, v1  }
.Ltmp4:
0x3a: {  	_ = 	snop;
	(pc) =	sbr.rel .LBB1_4-.Ltmp4, $1  }
0x3b: {  	_ =	sdelay $0x3  }
.LBB1_6:
0x3c: {  	_ =	sfence.sel $0x180000  }
0x3d: {  	s2 =	simm.s32 $0x1;
	[bflag:$0x0] =	sbarrier.arrive $0xFFFF  }
0x3e: {  	s31 =	simm.s32 $0x2;
	[sflag:s2] =	ssyncpa.u1 $0x1  }
0x3f: {  	[sflag:s31] =	ssyncpa.u1 $0x1  }
0x40: {  	p0 =	sne.s32 s0, $0x0;
	_ =	strace $0x9000004A  }
0x41: {  	s0 =	sadd.s32 @!p0 $0x100000, s1;
	[bflag:$0x2] =	sbarrier.arrive $0xFFFF  }
0x42: {  	[sflag:s0] =	ssyncadd.tile.s32 @!p0 $0x1;
	_ =	shalt  }
.Lfunc_end1:
_tile_overlayer_lowered:
.L_overlay_start_2:
0x43: {  	(tag) =	ssettag $0x2  }
0x44: {  	s0 =	rddreg [dreg:$0x0];
	s2 =	stileid.u32  }
0x45: {  	s1 =	rddreg [dreg:$0x1];
	p0 =	sne.s32 s2, $0x0  }
0x46: {  	s3 =	rddreg [dreg:$0x2];
	[bflag:$0x3] =	sbarrier.arrive $0xFFFF;
	s2 =	simm.s32 @!p0 $0x1C01  }
0x47: {  	[timem:s3], [sflag:s2] =	dma.local @!p0 [hbm:s0], s1  }
0x48: {  	s0 =	simm.s32 @!p0 $0x1  }
0x49: {  	_ =	swait.ge @!p0 [sflag:s0], s1  }
0x4a: {  	s1 =	ssub.s32 @!p0 $0x0, s1;
	[sflag:s0] =	ssyncset.done @!p0 $0x0  }
0x4b: {  	[sflag:s0] =	ssyncadd.s32 @!p0 s1  }
0x4c: {  	[bflag:$0x3] =	sbarrier.arrive $0xFFFF  }
0x4d: {  	_ =	shalt  }

</sc_bundles>
